<compile_context>
chip_gen: v7x
topology: tpu7x:2x2x1
jax: 0.10.2.dev20260603
libtpu: 0.0.44.dev20260713+nightly
codegen_flags: <defaults>
</compile_context>

<pallas_src>
import functools

import jax
import jax.numpy as jnp
from jax import lax
from jax.experimental import pallas as pl
from jax.experimental.pallas import tpu as pltpu
from jax.experimental.pallas import tpu_sc as plsc

B = 512
M = 100000
D = 128
C = 1000
TEMP = 0.05

NC = 2
NS = 16
NW = NC * NS

CP = 1024
RPS = CP // NS
CH = 128
NFULL = M // CH
TAIL = M - NFULL * CH
TAIL_OFF = NFULL * CH
ITERS = (NFULL + NW - 1) // NW
CW = 128
TPW = B // NW


def _sc_body(features_hbm, labels_hbm, indexes_hbm,
             zsum_hbm,
             sums_out, cnts_out, targets_out,
             rows0_v, rows1_v, rows2_v, rows3_v, rows4_v, rows5_v,
             idx0_v, idx1_v, idx2_v, idx3_v, idx4_v, idx5_v,
             idxt_v, tidx_v,
             tgt_v, hist_v, acc_sh, sem,
             ls0, ls1, ls2, ls3, ls4, ls5, ss0, ss1, ss2, ss3, ss4, ss5):
    cid = lax.axis_index("c")
    sid = lax.axis_index("s")
    w = cid * NS + sid

    pltpu.sync_copy(zsum_hbm.at[pl.ds(sid * RPS, RPS)],
                    acc_sh.at[pl.ds(sid * RPS, RPS)])
    z16 = jnp.zeros((16,), jnp.float32)
    for r in range(CP // 16):
        hist_v[pl.ds(r * 16, 16)] = z16
    plsc.subcore_barrier()

    ones16 = jnp.ones((16,), jnp.float32)

    def bump(idx_ref, n):
        for r in range(n // 16):
            iv = idx_ref[pl.ds(r * 16, 16)]
            plsc.addupdate_scatter(hist_v, [iv], ones16)

    rows_b = (rows0_v, rows1_v, rows2_v, rows3_v, rows4_v, rows5_v)
    idx_b = (idx0_v, idx1_v, idx2_v, idx3_v, idx4_v, idx5_v)
    ls_b = (ls0, ls1, ls2, ls3, ls4, ls5)
    ss_b = (ss0, ss1, ss2, ss3, ss4, ss5)
    NQ = 6
    NR = (ITERS + NQ - 1) // NQ

    def round4(i4, carry):
        for k in range(NQ):
            j = w + (i4 * NQ + k) * NW

            @pl.when(jnp.logical_and(i4 > 0, j < NFULL))
            def _(k=k):
                pltpu.make_async_copy(
                    rows_b[k], acc_sh.at[idx_b[k]], ss_b[k]).wait()

            @pl.when(j < NFULL)
            def _(k=k, j=j):
                pltpu.async_copy(
                    features_hbm.at[pl.ds(j * CH, CH)], rows_b[k], ls_b[k])
                pltpu.async_copy(
                    labels_hbm.at[pl.ds(j * CH, CH)], idx_b[k], ls_b[k])

        for k in range(NQ):
            j = w + (i4 * NQ + k) * NW

            @pl.when(j < NFULL)
            def _(k=k, j=j):
                pltpu.make_async_copy(
                    features_hbm.at[pl.ds(j * CH, CH)], rows_b[k],
                    ls_b[k]).wait()
                pltpu.make_async_copy(
                    labels_hbm.at[pl.ds(j * CH, CH)], idx_b[k],
                    ls_b[k]).wait()
                pltpu.async_copy(
                    rows_b[k], acc_sh.at[idx_b[k]], ss_b[k], add=True)
                bump(idx_b[k], CH)

        return carry

    lax.fori_loop(0, NR, round4, 0)

    tb = w * TPW
    pltpu.sync_copy(indexes_hbm.at[pl.ds(tb, TPW)], tidx_v)
    pltpu.async_copy(labels_hbm.at[tidx_v], tgt_v, sem).wait()
    pltpu.sync_copy(tgt_v, targets_out.at[w])

    for k in range(NQ):
        pltpu.make_async_copy(
            rows_b[k], acc_sh.at[idx_b[k]], ss_b[k]).wait()

    @pl.when(w == NW - 1)
    def _():
        pltpu.sync_copy(features_hbm.at[pl.ds(TAIL_OFF, TAIL)],
                        rows0_v.at[pl.ds(0, TAIL)])
        pltpu.sync_copy(labels_hbm.at[pl.ds(TAIL_OFF, TAIL)], idxt_v)
        pltpu.sync_copy(rows0_v.at[pl.ds(0, TAIL)], acc_sh.at[idxt_v],
                        add=True)
        bump(idxt_v, TAIL)

    plsc.subcore_barrier()

    base = cid * CP + sid * RPS
    pltpu.sync_copy(acc_sh.at[pl.ds(sid * RPS, RPS)],
                    sums_out.at[pl.ds(base, RPS)])
    pltpu.sync_copy(hist_v, cnts_out.at[w])


@functools.cache
def _get_sc_call():
  return pl.kernel(
    _sc_body,
    out_type=[
        jax.ShapeDtypeStruct((NC * CP, D), jnp.float32),
        jax.ShapeDtypeStruct((NW, CP), jnp.float32),
        jax.ShapeDtypeStruct((NW, TPW), jnp.int32),
    ],
    mesh=plsc.VectorSubcoreMesh(
        core_axis_name="c", subcore_axis_name="s",
        num_cores=NC, num_subcores=NS),
    scratch_types=[
        pltpu.VMEM((CH, D), jnp.float32),
        pltpu.VMEM((CH, D), jnp.float32),
        pltpu.VMEM((CH, D), jnp.float32),
        pltpu.VMEM((CH, D), jnp.float32),
        pltpu.VMEM((CH, D), jnp.float32),
        pltpu.VMEM((CH, D), jnp.float32),
        pltpu.VMEM((CH,), jnp.int32),
        pltpu.VMEM((CH,), jnp.int32),
        pltpu.VMEM((CH,), jnp.int32),
        pltpu.VMEM((CH,), jnp.int32),
        pltpu.VMEM((CH,), jnp.int32),
        pltpu.VMEM((CH,), jnp.int32),
        pltpu.VMEM((TAIL,), jnp.int32),
        pltpu.VMEM((TPW,), jnp.int32),
        pltpu.VMEM((TPW,), jnp.int32),
        pltpu.VMEM((CP,), jnp.float32),
        pltpu.VMEM_SHARED((CP, D), jnp.float32),
        pltpu.SemaphoreType.DMA,
        pltpu.SemaphoreType.DMA,
        pltpu.SemaphoreType.DMA,
        pltpu.SemaphoreType.DMA,
        pltpu.SemaphoreType.DMA,
        pltpu.SemaphoreType.DMA,
        pltpu.SemaphoreType.DMA,
        pltpu.SemaphoreType.DMA,
        pltpu.SemaphoreType.DMA,
        pltpu.SemaphoreType.DMA,
        pltpu.SemaphoreType.DMA,
        pltpu.SemaphoreType.DMA,
        pltpu.SemaphoreType.DMA,
    ],
    compiler_params=pltpu.CompilerParams(needs_layout_passes=False),
  )


def _tc_body(feat_ref, sums_ref, cnts_ref, tgt_ref, out_ref):
    feat = feat_ref[...]
    nrm = jnp.sqrt(jnp.sum(feat * feat, axis=1, keepdims=True))
    x = feat / jnp.maximum(nrm, 1e-12)

    cs = sums_ref[0:CP, :] + sums_ref[CP:2 * CP, :]

    sim = lax.dot_general(
        x, cs, (((1,), (1,)), ((), ())),
        preferred_element_type=jnp.float32,
        precision=lax.Precision.HIGHEST) * (1.0 / TEMP)

    onesk = jnp.ones((1, NW), jnp.float32)
    cnt_row = lax.dot_general(
        onesk, cnts_ref[...], (((1,), (0,)), ((), ())),
        preferred_element_type=jnp.float32,
        precision=lax.Precision.HIGHEST)

    mask = (cnt_row > 0.0).astype(jnp.float32)
    denom = mask * cnt_row + (1.0 - mask)
    simd = sim / denom
    exps = jnp.exp(simd) * mask
    ssum = jnp.sum(exps, axis=1, keepdims=True) + 1e-06
    p = exps / ssum
    logp = jnp.log(p + 1e-06)

    tgt = tgt_ref[...].reshape(NW, TPW, 1)
    logp3 = logp.reshape(NW, TPW, CP)
    oh = (lax.broadcasted_iota(jnp.int32, (NW, TPW, CP), 2) == tgt)
    loss = -jnp.sum(jnp.where(oh, logp3, 0.0)) * (1.0 / B)
    out_ref[0, 0] = loss


_tc_call = pl.pallas_call(
    _tc_body,
    out_shape=jax.ShapeDtypeStruct((1, 1), jnp.float32),
    out_specs=pl.BlockSpec(memory_space=pltpu.SMEM),
)


def kernel(feat, indexes, features, labels):
    zsum = jnp.zeros((CP, D), jnp.float32)
    sums, cnts, targets = _get_sc_call()(
        features, labels, indexes, zsum)
    loss = _tc_call(feat, sums, cnts, targets)
    return loss.reshape(())

# --- scband reference (transcript-rebuilt; emitter-appended) ---
"""Pipeline reference for scband-hybrid-memory-89635967467984 (READ-ONLY COPY).

The authoritative reference and input builder live on the scoring server;
editing this copy changes nothing except your own understanding.
"""

import jax, jax.numpy as jnp
import numpy as np

B = 512
M = 100000
D = 128
C = 1000
TEMP = 0.05


def setup_inputs(seed: int = 0) -> dict:
    key = jax.random.key(seed)
    k1, k2, k3, k4 = jax.random.split(key, 4)
    feat = jax.random.normal(k1, (B, D), dtype=jnp.float32)
    indexes = jax.random.randint(k2, (B,), 0, 30000, dtype=jnp.int32)
    features = jax.random.normal(k3, (M, D), dtype=jnp.float32)
    features = features / jnp.maximum(jnp.linalg.norm(features, axis=1, keepdims=True), 1e-12)
    labels = jax.random.randint(k4, (M,), 0, C, dtype=jnp.int32)
    return {"feat": feat, "indexes": indexes, "features": features, "labels": labels}


def reference(feat, indexes, features, labels):
    # inputs = F.normalize(feat)
    x = feat / jnp.maximum(jnp.linalg.norm(feat, axis=1, keepdims=True), 1e-12)
    # hm(): HM.apply forward = inputs.mm(features.t()) -> [B, M]
    scores = x @ features.T
    scores = scores / TEMP
    b = scores.shape[0]
    num_classes = C
    targets = labels[indexes]
    # sim.index_add_(0, labels, inputs.t()) -> [C, B]
    sim = jnp.zeros((num_classes, b), jnp.float32).at[labels].add(scores.T)
    nums = jnp.zeros((num_classes, 1), jnp.float32).at[labels].add(1.0)
    mask = (nums > 0).astype(jnp.float32)
    sim = sim / (mask * nums + (1.0 - mask))
    # masked_softmax(sim.t(), mask.t(), coef=None)
    exps = jnp.exp(sim.T)                      # [B, C]
    masked_exps = exps * mask.T                # mask.T broadcasts [1, C]
    masked_sums = masked_exps.sum(axis=1, keepdims=True) + 1e-06
    p = masked_exps / masked_sums
    logp = jnp.log(p + 1e-06)
    # F.nll_loss(logp, targets) with mean reduction
    loss = -jnp.mean(logp[jnp.arange(b), targets])
    return loss

if __name__ == "__main__":
    import jax
    _d = setup_inputs()
    print(jax.jit(kernel)(*tuple(_d.values())))

</pallas_src>

<mosaic_0001>
#map = affine_map<(d0, d1) -> (0, 0)>
#map1 = affine_map<(d0, d1) -> (0)>
module attributes {stable_mosaic.version = 14 : i64} {
  func.func @_sc_body(%arg0: i32, %arg1: i32, %arg2: memref<100000x128xf32, #tpu.memory_space<hbm>>, %arg3: memref<100000xi32, #tpu.memory_space<hbm>>, %arg4: memref<512xi32, #tpu.memory_space<hbm>>, %arg5: memref<1024x128xf32, #tpu.memory_space<hbm>>, %arg6: memref<2048x128xf32, #tpu.memory_space<hbm>>, %arg7: memref<32x1024xf32, #tpu.memory_space<hbm>>, %arg8: memref<32x16xi32, #tpu.memory_space<hbm>>, %arg9: memref<128x128xf32, #tpu.memory_space<vmem>>, %arg10: memref<128x128xf32, #tpu.memory_space<vmem>>, %arg11: memref<128x128xf32, #tpu.memory_space<vmem>>, %arg12: memref<128x128xf32, #tpu.memory_space<vmem>>, %arg13: memref<128x128xf32, #tpu.memory_space<vmem>>, %arg14: memref<128x128xf32, #tpu.memory_space<vmem>>, %arg15: memref<128xi32, #tpu.memory_space<vmem>>, %arg16: memref<128xi32, #tpu.memory_space<vmem>>, %arg17: memref<128xi32, #tpu.memory_space<vmem>>, %arg18: memref<128xi32, #tpu.memory_space<vmem>>, %arg19: memref<128xi32, #tpu.memory_space<vmem>>, %arg20: memref<128xi32, #tpu.memory_space<vmem>>, %arg21: memref<32xi32, #tpu.memory_space<vmem>>, %arg22: memref<16xi32, #tpu.memory_space<vmem>>, %arg23: memref<16xi32, #tpu.memory_space<vmem>>, %arg24: memref<1024xf32, #tpu.memory_space<vmem>>, %arg25: memref<1024x128xf32, #tpu.memory_space<vmem_shared>>, %arg26: memref<!tpu.dma_semaphore, #tpu.memory_space<semaphore_mem>>, %arg27: memref<!tpu.dma_semaphore, #tpu.memory_space<semaphore_mem>>, %arg28: memref<!tpu.dma_semaphore, #tpu.memory_space<semaphore_mem>>, %arg29: memref<!tpu.dma_semaphore, #tpu.memory_space<semaphore_mem>>, %arg30: memref<!tpu.dma_semaphore, #tpu.memory_space<semaphore_mem>>, %arg31: memref<!tpu.dma_semaphore, #tpu.memory_space<semaphore_mem>>, %arg32: memref<!tpu.dma_semaphore, #tpu.memory_space<semaphore_mem>>, %arg33: memref<!tpu.dma_semaphore, #tpu.memory_space<semaphore_mem>>, %arg34: memref<!tpu.dma_semaphore, #tpu.memory_space<semaphore_mem>>, %arg35: memref<!tpu.dma_semaphore, #tpu.memory_space<semaphore_mem>>, %arg36: memref<!tpu.dma_semaphore, #tpu.memory_space<semaphore_mem>>, %arg37: memref<!tpu.dma_semaphore, #tpu.memory_space<semaphore_mem>>, %arg38: memref<!tpu.dma_semaphore, #tpu.memory_space<semaphore_mem>>) attributes {dimension_semantics = [#tpu.dimension_semantics<core_parallel>, #tpu.dimension_semantics<subcore_parallel>], iteration_bounds = array<i64: 2, 16>, scalar_prefetch = 0 : i64, scratch_operands = 30 : i64, tpu.core_type = #tpu.core_type<sc_vector_subcore>, window_params = [{transform_indices = #map}, {transform_indices = #map1}, {transform_indices = #map1}, {transform_indices = #map}, {transform_indices = #map}, {transform_indices = #map}, {transform_indices = #map}]} {
    %mul3A = arith.constant 16 : i32
    %mul3A_0 = arith.muli %arg0, %mul3A : i32
    %add3A = arith.addi %mul3A_0, %arg1 : i32
    %mul3A_1 = arith.constant 64 : i32
    %mul3A_2 = arith.muli %arg1, %mul3A_1 : i32
    %mul3A_3 = arith.constant 64 : i32
    %mul3A_4 = arith.muli %arg1, %mul3A_3 : i32
    "tpu.region"() ({
      %run_scoped3A = tpu.sem_alloc : memref<!tpu.dma_semaphore, #tpu.memory_space<semaphore_mem>>
      %dma_start3A_172 = arith.constant 0 : i32
      %dma_start3A_173 = tpu.memref_slice %arg25[%mul3A_4, %dma_start3A_172] : memref<1024x128xf32, #tpu.memory_space<vmem_shared>> -> memref<64x128xf32, #tpu.memory_space<vmem_shared>>
      %dma_start3A_174 = arith.constant 0 : i32
      %dma_start3A_175 = tpu.memref_slice %arg5[%mul3A_2, %dma_start3A_174] : memref<1024x128xf32, #tpu.memory_space<hbm>> -> memref<64x128xf32, #tpu.memory_space<hbm>>
      tpu.enqueue_dma source(%dma_start3A_175 : memref<64x128xf32, #tpu.memory_space<hbm>>) target(%dma_start3A_173 : memref<64x128xf32, #tpu.memory_space<vmem_shared>>) target_semaphore(%run_scoped3A : memref<!tpu.dma_semaphore, #tpu.memory_space<semaphore_mem>>)
      %dma_wait3A_176 = arith.constant 0 : i32
      %dma_wait3A_177 = tpu.memref_slice %arg25[%mul3A_4, %dma_wait3A_176] : memref<1024x128xf32, #tpu.memory_space<vmem_shared>> -> memref<64x128xf32, #tpu.memory_space<vmem_shared>>
      %dma_wait3A_178 = arith.constant 0 : i32
      %dma_wait3A_179 = tpu.memref_slice %arg5[%mul3A_2, %dma_wait3A_178] : memref<1024x128xf32, #tpu.memory_space<hbm>> -> memref<64x128xf32, #tpu.memory_space<hbm>>
      tpu.wait_dma2 semaphore(%run_scoped3A : memref<!tpu.dma_semaphore, #tpu.memory_space<semaphore_mem>>) src(%dma_wait3A_179 : memref<64x128xf32, #tpu.memory_space<hbm>>) dst(%dma_wait3A_177 : memref<64x128xf32, #tpu.memory_space<vmem_shared>>)
      tpu.yield
    }) : () -> ()
    %broadcast_in_dim3A = arith.constant 0.000000e+00 : f32
    %broadcast_in_dim3A_5 = vector.broadcast %broadcast_in_dim3A : f32 to vector<16xf32>
    %swap3A = arith.constant 0 : index
    %swap3A_6 = tpu.vector_load %arg24[%swap3A] {strides = array<i32>} : memref<1024xf32, #tpu.memory_space<vmem>>, vector<16xf32>,
    tpu.vector_store %arg24[%swap3A], %broadcast_in_dim3A_5 {strides = array<i32>} : memref<1024xf32, #tpu.memory_space<vmem>>, vector<16xf32>,
    %swap3A_7 = arith.constant 16 : index
    %swap3A_8 = tpu.vector_load %arg24[%swap3A_7] {strides = array<i32>} : memref<1024xf32, #tpu.memory_space<vmem>>, vector<16xf32>,
    tpu.vector_store %arg24[%swap3A_7], %broadcast_in_dim3A_5 {strides = array<i32>} : memref<1024xf32, #tpu.memory_space<vmem>>, vector<16xf32>,
    %swap3A_9 = arith.constant 32 : index
    %swap3A_10 = tpu.vector_load %arg24[%swap3A_9] {strides = array<i32>} : memref<1024xf32, #tpu.memory_space<vmem>>, vector<16xf32>,
    tpu.vector_store %arg24[%swap3A_9], %broadcast_in_dim3A_5 {strides = array<i32>} : memref<1024xf32, #tpu.memory_space<vmem>>, vector<16xf32>,
    %swap3A_11 = arith.constant 48 : index
    %swap3A_12 = tpu.vector_load %arg24[%swap3A_11] {strides = array<i32>} : memref<1024xf32, #tpu.memory_space<vmem>>, vector<16xf32>,
    tpu.vector_store %arg24[%swap3A_11], %broadcast_in_dim3A_5 {strides = array<i32>} : memref<1024xf32, #tpu.memory_space<vmem>>, vector<16xf32>,
    %swap3A_13 = arith.constant 64 : index
    %swap3A_14 = tpu.vector_load %arg24[%swap3A_13] {strides = array<i32>} : memref<1024xf32, #tpu.memory_space<vmem>>, vector<16xf32>,
    tpu.vector_store %arg24[%swap3A_13], %broadcast_in_dim3A_5 {strides = array<i32>} : memref<1024xf32, #tpu.memory_space<vmem>>, vector<16xf32>,
    %swap3A_15 = arith.constant 80 : index
    %swap3A_16 = tpu.vector_load %arg24[%swap3A_15] {strides = array<i32>} : memref<1024xf32, #tpu.memory_space<vmem>>, vector<16xf32>,
    tpu.vector_store %arg24[%swap3A_15], %broadcast_in_dim3A_5 {strides = array<i32>} : memref<1024xf32, #tpu.memory_space<vmem>>, vector<16xf32>,
    %swap3A_17 = arith.constant 96 : index
    %swap3A_18 = tpu.vector_load %arg24[%swap3A_17] {strides = array<i32>} : memref<1024xf32, #tpu.memory_space<vmem>>, vector<16xf32>,
    tpu.vector_store %arg24[%swap3A_17], %broadcast_in_dim3A_5 {strides = array<i32>} : memref<1024xf32, #tpu.memory_space<vmem>>, vector<16xf32>,
    %swap3A_19 = arith.constant 112 : index
    %swap3A_20 = tpu.vector_load %arg24[%swap3A_19] {strides = array<i32>} : memref<1024xf32, #tpu.memory_space<vmem>>, vector<16xf32>,
    tpu.vector_store %arg24[%swap3A_19], %broadcast_in_dim3A_5 {strides = array<i32>} : memref<1024xf32, #tpu.memory_space<vmem>>, vector<16xf32>,
    %swap3A_21 = arith.constant 128 : index
    %swap3A_22 = tpu.vector_load %arg24[%swap3A_21] {strides = array<i32>} : memref<1024xf32, #tpu.memory_space<vmem>>, vector<16xf32>,
    tpu.vector_store %arg24[%swap3A_21], %broadcast_in_dim3A_5 {strides = array<i32>} : memref<1024xf32, #tpu.memory_space<vmem>>, vector<16xf32>,
    %swap3A_23 = arith.constant 144 : index
    %swap3A_24 = tpu.vector_load %arg24[%swap3A_23] {strides = array<i32>} : memref<1024xf32, #tpu.memory_space<vmem>>, vector<16xf32>,
    tpu.vector_store %arg24[%swap3A_23], %broadcast_in_dim3A_5 {strides = array<i32>} : memref<1024xf32, #tpu.memory_space<vmem>>, vector<16xf32>,
    %swap3A_25 = arith.constant 160 : index
    %swap3A_26 = tpu.vector_load %arg24[%swap3A_25] {strides = array<i32>} : memref<1024xf32, #tpu.memory_space<vmem>>, vector<16xf32>,
    tpu.vector_store %arg24[%swap3A_25], %broadcast_in_dim3A_5 {strides = array<i32>} : memref<1024xf32, #tpu.memory_space<vmem>>, vector<16xf32>,
    %swap3A_27 = arith.constant 176 : index
    %swap3A_28 = tpu.vector_load %arg24[%swap3A_27] {strides = array<i32>} : memref<1024xf32, #tpu.memory_space<vmem>>, vector<16xf32>,
    tpu.vector_store %arg24[%swap3A_27], %broadcast_in_dim3A_5 {strides = array<i32>} : memref<1024xf32, #tpu.memory_space<vmem>>, vector<16xf32>,
    %swap3A_29 = arith.constant 192 : index
    %swap3A_30 = tpu.vector_load %arg24[%swap3A_29] {strides = array<i32>} : memref<1024xf32, #tpu.memory_space<vmem>>, vector<16xf32>,
    tpu.vector_store %arg24[%swap3A_29], %broadcast_in_dim3A_5 {strides = array<i32>} : memref<1024xf32, #tpu.memory_space<vmem>>, vector<16xf32>,
    %swap3A_31 = arith.constant 208 : index
    %swap3A_32 = tpu.vector_load %arg24[%swap3A_31] {strides = array<i32>} : memref<1024xf32, #tpu.memory_space<vmem>>, vector<16xf32>,
    tpu.vector_store %arg24[%swap3A_31], %broadcast_in_dim3A_5 {strides = array<i32>} : memref<1024xf32, #tpu.memory_space<vmem>>, vector<16xf32>,
    %swap3A_33 = arith.constant 224 : index
    %swap3A_34 = tpu.vector_load %arg24[%swap3A_33] {strides = array<i32>} : memref<1024xf32, #tpu.memory_space<vmem>>, vector<16xf32>,
    tpu.vector_store %arg24[%swap3A_33], %broadcast_in_dim3A_5 {strides = array<i32>} : memref<1024xf32, #tpu.memory_space<vmem>>, vector<16xf32>,
    %swap3A_35 = arith.constant 240 : index
    %swap3A_36 = tpu.vector_load %arg24[%swap3A_35] {strides = array<i32>} : memref<1024xf32, #tpu.memory_space<vmem>>, vector<16xf32>,
    tpu.vector_store %arg24[%swap3A_35], %broadcast_in_dim3A_5 {strides = array<i32>} : memref<1024xf32, #tpu.memory_space<vmem>>, vector<16xf32>,
    %swap3A_37 = arith.constant 256 : index
    %swap3A_38 = tpu.vector_load %arg24[%swap3A_37] {strides = array<i32>} : memref<1024xf32, #tpu.memory_space<vmem>>, vector<16xf32>,
    tpu.vector_store %arg24[%swap3A_37], %broadcast_in_dim3A_5 {strides = array<i32>} : memref<1024xf32, #tpu.memory_space<vmem>>, vector<16xf32>,
    %swap3A_39 = arith.constant 272 : index
    %swap3A_40 = tpu.vector_load %arg24[%swap3A_39] {strides = array<i32>} : memref<1024xf32, #tpu.memory_space<vmem>>, vector<16xf32>,
    tpu.vector_store %arg24[%swap3A_39], %broadcast_in_dim3A_5 {strides = array<i32>} : memref<1024xf32, #tpu.memory_space<vmem>>, vector<16xf32>,
    %swap3A_41 = arith.constant 288 : index
    %swap3A_42 = tpu.vector_load %arg24[%swap3A_41] {strides = array<i32>} : memref<1024xf32, #tpu.memory_space<vmem>>, vector<16xf32>,
    tpu.vector_store %arg24[%swap3A_41], %broadcast_in_dim3A_5 {strides = array<i32>} : memref<1024xf32, #tpu.memory_space<vmem>>, vector<16xf32>,
    %swap3A_43 = arith.constant 304 : index
    %swap3A_44 = tpu.vector_load %arg24[%swap3A_43] {strides = array<i32>} : memref<1024xf32, #tpu.memory_space<vmem>>, vector<16xf32>,
    tpu.vector_store %arg24[%swap3A_43], %broadcast_in_dim3A_5 {strides = array<i32>} : memref<1024xf32, #tpu.memory_space<vmem>>, vector<16xf32>,
    %swap3A_45 = arith.constant 320 : index
    %swap3A_46 = tpu.vector_load %arg24[%swap3A_45] {strides = array<i32>} : memref<1024xf32, #tpu.memory_space<vmem>>, vector<16xf32>,
    tpu.vector_store %arg24[%swap3A_45], %broadcast_in_dim3A_5 {strides = array<i32>} : memref<1024xf32, #tpu.memory_space<vmem>>, vector<16xf32>,
    %swap3A_47 = arith.constant 336 : index
    %swap3A_48 = tpu.vector_load %arg24[%swap3A_47] {strides = array<i32>} : memref<1024xf32, #tpu.memory_space<vmem>>, vector<16xf32>,
    tpu.vector_store %arg24[%swap3A_47], %broadcast_in_dim3A_5 {strides = array<i32>} : memref<1024xf32, #tpu.memory_space<vmem>>, vector<16xf32>,
    %swap3A_49 = arith.constant 352 : index
    %swap3A_50 = tpu.vector_load %arg24[%swap3A_49] {strides = array<i32>} : memref<1024xf32, #tpu.memory_space<vmem>>, vector<16xf32>,
    tpu.vector_store %arg24[%swap3A_49], %broadcast_in_dim3A_5 {strides = array<i32>} : memref<1024xf32, #tpu.memory_space<vmem>>, vector<16xf32>,
    %swap3A_51 = arith.constant 368 : index
    %swap3A_52 = tpu.vector_load %arg24[%swap3A_51] {strides = array<i32>} : memref<1024xf32, #tpu.memory_space<vmem>>, vector<16xf32>,
    tpu.vector_store %arg24[%swap3A_51], %broadcast_in_dim3A_5 {strides = array<i32>} : memref<1024xf32, #tpu.memory_space<vmem>>, vector<16xf32>,
    %swap3A_53 = arith.constant 384 : index
    %swap3A_54 = tpu.vector_load %arg24[%swap3A_53] {strides = array<i32>} : memref<1024xf32, #tpu.memory_space<vmem>>, vector<16xf32>,
    tpu.vector_store %arg24[%swap3A_53], %broadcast_in_dim3A_5 {strides = array<i32>} : memref<1024xf32, #tpu.memory_space<vmem>>, vector<16xf32>,
    %swap3A_55 = arith.constant 400 : index
    %swap3A_56 = tpu.vector_load %arg24[%swap3A_55] {strides = array<i32>} : memref<1024xf32, #tpu.memory_space<vmem>>, vector<16xf32>,
    tpu.vector_store %arg24[%swap3A_55], %broadcast_in_dim3A_5 {strides = array<i32>} : memref<1024xf32, #tpu.memory_space<vmem>>, vector<16xf32>,
    %swap3A_57 = arith.constant 416 : index
    %swap3A_58 = tpu.vector_load %arg24[%swap3A_57] {strides = array<i32>} : memref<1024xf32, #tpu.memory_space<vmem>>, vector<16xf32>,
    tpu.vector_store %arg24[%swap3A_57], %broadcast_in_dim3A_5 {strides = array<i32>} : memref<1024xf32, #tpu.memory_space<vmem>>, vector<16xf32>,
    %swap3A_59 = arith.constant 432 : index
    %swap3A_60 = tpu.vector_load %arg24[%swap3A_59] {strides = array<i32>} : memref<1024xf32, #tpu.memory_space<vmem>>, vector<16xf32>,
    tpu.vector_store %arg24[%swap3A_59], %broadcast_in_dim3A_5 {strides = array<i32>} : memref<1024xf32, #tpu.memory_space<vmem>>, vector<16xf32>,
    %swap3A_61 = arith.constant 448 : index
    %swap3A_62 = tpu.vector_load %arg24[%swap3A_61] {strides = array<i32>} : memref<1024xf32, #tpu.memory_space<vmem>>, vector<16xf32>,
    tpu.vector_store %arg24[%swap3A_61], %broadcast_in_dim3A_5 {strides = array<i32>} : memref<1024xf32, #tpu.memory_space<vmem>>, vector<16xf32>,
    %swap3A_63 = arith.constant 464 : index
    %swap3A_64 = tpu.vector_load %arg24[%swap3A_63] {strides = array<i32>} : memref<1024xf32, #tpu.memory_space<vmem>>, vector<16xf32>,
    tpu.vector_store %arg24[%swap3A_63], %broadcast_in_dim3A_5 {strides = array<i32>} : memref<1024xf32, #tpu.memory_space<vmem>>, vector<16xf32>,
    %swap3A_65 = arith.constant 480 : index
    %swap3A_66 = tpu.vector_load %arg24[%swap3A_65] {strides = array<i32>} : memref<1024xf32, #tpu.memory_space<vmem>>, vector<16xf32>,
    tpu.vector_store %arg24[%swap3A_65], %broadcast_in_dim3A_5 {strides = array<i32>} : memref<1024xf32, #tpu.memory_space<vmem>>, vector<16xf32>,
    %swap3A_67 = arith.constant 496 : index
    %swap3A_68 = tpu.vector_load %arg24[%swap3A_67] {strides = array<i32>} : memref<1024xf32, #tpu.memory_space<vmem>>, vector<16xf32>,
    tpu.vector_store %arg24[%swap3A_67], %broadcast_in_dim3A_5 {strides = array<i32>} : memref<1024xf32, #tpu.memory_space<vmem>>, vector<16xf32>,
    %swap3A_69 = arith.constant 512 : index
    %swap3A_70 = tpu.vector_load %arg24[%swap3A_69] {strides = array<i32>} : memref<1024xf32, #tpu.memory_space<vmem>>, vector<16xf32>,
    tpu.vector_store %arg24[%swap3A_69], %broadcast_in_dim3A_5 {strides = array<i32>} : memref<1024xf32, #tpu.memory_space<vmem>>, vector<16xf32>,
    %swap3A_71 = arith.constant 528 : index
    %swap3A_72 = tpu.vector_load %arg24[%swap3A_71] {strides = array<i32>} : memref<1024xf32, #tpu.memory_space<vmem>>, vector<16xf32>,
    tpu.vector_store %arg24[%swap3A_71], %broadcast_in_dim3A_5 {strides = array<i32>} : memref<1024xf32, #tpu.memory_space<vmem>>, vector<16xf32>,
    %swap3A_73 = arith.constant 544 : index
    %swap3A_74 = tpu.vector_load %arg24[%swap3A_73] {strides = array<i32>} : memref<1024xf32, #tpu.memory_space<vmem>>, vector<16xf32>,
    tpu.vector_store %arg24[%swap3A_73], %broadcast_in_dim3A_5 {strides = array<i32>} : memref<1024xf32, #tpu.memory_space<vmem>>, vector<16xf32>,
    %swap3A_75 = arith.constant 560 : index
    %swap3A_76 = tpu.vector_load %arg24[%swap3A_75] {strides = array<i32>} : memref<1024xf32, #tpu.memory_space<vmem>>, vector<16xf32>,
    tpu.vector_store %arg24[%swap3A_75], %broadcast_in_dim3A_5 {strides = array<i32>} : memref<1024xf32, #tpu.memory_space<vmem>>, vector<16xf32>,
    %swap3A_77 = arith.constant 576 : index
    %swap3A_78 = tpu.vector_load %arg24[%swap3A_77] {strides = array<i32>} : memref<1024xf32, #tpu.memory_space<vmem>>, vector<16xf32>,
    tpu.vector_store %arg24[%swap3A_77], %broadcast_in_dim3A_5 {strides = array<i32>} : memref<1024xf32, #tpu.memory_space<vmem>>, vector<16xf32>,
    %swap3A_79 = arith.constant 592 : index
    %swap3A_80 = tpu.vector_load %arg24[%swap3A_79] {strides = array<i32>} : memref<1024xf32, #tpu.memory_space<vmem>>, vector<16xf32>,
    tpu.vector_store %arg24[%swap3A_79], %broadcast_in_dim3A_5 {strides = array<i32>} : memref<1024xf32, #tpu.memory_space<vmem>>, vector<16xf32>,
    %swap3A_81 = arith.constant 608 : index
    %swap3A_82 = tpu.vector_load %arg24[%swap3A_81] {strides = array<i32>} : memref<1024xf32, #tpu.memory_space<vmem>>, vector<16xf32>,
    tpu.vector_store %arg24[%swap3A_81], %broadcast_in_dim3A_5 {strides = array<i32>} : memref<1024xf32, #tpu.memory_space<vmem>>, vector<16xf32>,
    %swap3A_83 = arith.constant 624 : index
    %swap3A_84 = tpu.vector_load %arg24[%swap3A_83] {strides = array<i32>} : memref<1024xf32, #tpu.memory_space<vmem>>, vector<16xf32>,
    tpu.vector_store %arg24[%swap3A_83], %broadcast_in_dim3A_5 {strides = array<i32>} : memref<1024xf32, #tpu.memory_space<vmem>>, vector<16xf32>,
    %swap3A_85 = arith.constant 640 : index
    %swap3A_86 = tpu.vector_load %arg24[%swap3A_85] {strides = array<i32>} : memref<1024xf32, #tpu.memory_space<vmem>>, vector<16xf32>,
    tpu.vector_store %arg24[%swap3A_85], %broadcast_in_dim3A_5 {strides = array<i32>} : memref<1024xf32, #tpu.memory_space<vmem>>, vector<16xf32>,
    %swap3A_87 = arith.constant 656 : index
    %swap3A_88 = tpu.vector_load %arg24[%swap3A_87] {strides = array<i32>} : memref<1024xf32, #tpu.memory_space<vmem>>, vector<16xf32>,
    tpu.vector_store %arg24[%swap3A_87], %broadcast_in_dim3A_5 {strides = array<i32>} : memref<1024xf32, #tpu.memory_space<vmem>>, vector<16xf32>,
    %swap3A_89 = arith.constant 672 : index
    %swap3A_90 = tpu.vector_load %arg24[%swap3A_89] {strides = array<i32>} : memref<1024xf32, #tpu.memory_space<vmem>>, vector<16xf32>,
    tpu.vector_store %arg24[%swap3A_89], %broadcast_in_dim3A_5 {strides = array<i32>} : memref<1024xf32, #tpu.memory_space<vmem>>, vector<16xf32>,
    %swap3A_91 = arith.constant 688 : index
    %swap3A_92 = tpu.vector_load %arg24[%swap3A_91] {strides = array<i32>} : memref<1024xf32, #tpu.memory_space<vmem>>, vector<16xf32>,
    tpu.vector_store %arg24[%swap3A_91], %broadcast_in_dim3A_5 {strides = array<i32>} : memref<1024xf32, #tpu.memory_space<vmem>>, vector<16xf32>,
    %swap3A_93 = arith.constant 704 : index
    %swap3A_94 = tpu.vector_load %arg24[%swap3A_93] {strides = array<i32>} : memref<1024xf32, #tpu.memory_space<vmem>>, vector<16xf32>,
    tpu.vector_store %arg24[%swap3A_93], %broadcast_in_dim3A_5 {strides = array<i32>} : memref<1024xf32, #tpu.memory_space<vmem>>, vector<16xf32>,
    %swap3A_95 = arith.constant 720 : index
    %swap3A_96 = tpu.vector_load %arg24[%swap3A_95] {strides = array<i32>} : memref<1024xf32, #tpu.memory_space<vmem>>, vector<16xf32>,
    tpu.vector_store %arg24[%swap3A_95], %broadcast_in_dim3A_5 {strides = array<i32>} : memref<1024xf32, #tpu.memory_space<vmem>>, vector<16xf32>,
    %swap3A_97 = arith.constant 736 : index
    %swap3A_98 = tpu.vector_load %arg24[%swap3A_97] {strides = array<i32>} : memref<1024xf32, #tpu.memory_space<vmem>>, vector<16xf32>,
    tpu.vector_store %arg24[%swap3A_97], %broadcast_in_dim3A_5 {strides = array<i32>} : memref<1024xf32, #tpu.memory_space<vmem>>, vector<16xf32>,
    %swap3A_99 = arith.constant 752 : index
    %swap3A_100 = tpu.vector_load %arg24[%swap3A_99] {strides = array<i32>} : memref<1024xf32, #tpu.memory_space<vmem>>, vector<16xf32>,
    tpu.vector_store %arg24[%swap3A_99], %broadcast_in_dim3A_5 {strides = array<i32>} : memref<1024xf32, #tpu.memory_space<vmem>>, vector<16xf32>,
    %swap3A_101 = arith.constant 768 : index
    %swap3A_102 = tpu.vector_load %arg24[%swap3A_101] {strides = array<i32>} : memref<1024xf32, #tpu.memory_space<vmem>>, vector<16xf32>,
    tpu.vector_store %arg24[%swap3A_101], %broadcast_in_dim3A_5 {strides = array<i32>} : memref<1024xf32, #tpu.memory_space<vmem>>, vector<16xf32>,
    %swap3A_103 = arith.constant 784 : index
    %swap3A_104 = tpu.vector_load %arg24[%swap3A_103] {strides = array<i32>} : memref<1024xf32, #tpu.memory_space<vmem>>, vector<16xf32>,
    tpu.vector_store %arg24[%swap3A_103], %broadcast_in_dim3A_5 {strides = array<i32>} : memref<1024xf32, #tpu.memory_space<vmem>>, vector<16xf32>,
    %swap3A_105 = arith.constant 800 : index
    %swap3A_106 = tpu.vector_load %arg24[%swap3A_105] {strides = array<i32>} : memref<1024xf32, #tpu.memory_space<vmem>>, vector<16xf32>,
    tpu.vector_store %arg24[%swap3A_105], %broadcast_in_dim3A_5 {strides = array<i32>} : memref<1024xf32, #tpu.memory_space<vmem>>, vector<16xf32>,
    %swap3A_107 = arith.constant 816 : index
    %swap3A_108 = tpu.vector_load %arg24[%swap3A_107] {strides = array<i32>} : memref<1024xf32, #tpu.memory_space<vmem>>, vector<16xf32>,
    tpu.vector_store %arg24[%swap3A_107], %broadcast_in_dim3A_5 {strides = array<i32>} : memref<1024xf32, #tpu.memory_space<vmem>>, vector<16xf32>,
    %swap3A_109 = arith.constant 832 : index
    %swap3A_110 = tpu.vector_load %arg24[%swap3A_109] {strides = array<i32>} : memref<1024xf32, #tpu.memory_space<vmem>>, vector<16xf32>,
    tpu.vector_store %arg24[%swap3A_109], %broadcast_in_dim3A_5 {strides = array<i32>} : memref<1024xf32, #tpu.memory_space<vmem>>, vector<16xf32>,
    %swap3A_111 = arith.constant 848 : index
    %swap3A_112 = tpu.vector_load %arg24[%swap3A_111] {strides = array<i32>} : memref<1024xf32, #tpu.memory_space<vmem>>, vector<16xf32>,
    tpu.vector_store %arg24[%swap3A_111], %broadcast_in_dim3A_5 {strides = array<i32>} : memref<1024xf32, #tpu.memory_space<vmem>>, vector<16xf32>,
    %swap3A_113 = arith.constant 864 : index
    %swap3A_114 = tpu.vector_load %arg24[%swap3A_113] {strides = array<i32>} : memref<1024xf32, #tpu.memory_space<vmem>>, vector<16xf32>,
    tpu.vector_store %arg24[%swap3A_113], %broadcast_in_dim3A_5 {strides = array<i32>} : memref<1024xf32, #tpu.memory_space<vmem>>, vector<16xf32>,
    %swap3A_115 = arith.constant 880 : index
    %swap3A_116 = tpu.vector_load %arg24[%swap3A_115] {strides = array<i32>} : memref<1024xf32, #tpu.memory_space<vmem>>, vector<16xf32>,
    tpu.vector_store %arg24[%swap3A_115], %broadcast_in_dim3A_5 {strides = array<i32>} : memref<1024xf32, #tpu.memory_space<vmem>>, vector<16xf32>,
    %swap3A_117 = arith.constant 896 : index
    %swap3A_118 = tpu.vector_load %arg24[%swap3A_117] {strides = array<i32>} : memref<1024xf32, #tpu.memory_space<vmem>>, vector<16xf32>,
    tpu.vector_store %arg24[%swap3A_117], %broadcast_in_dim3A_5 {strides = array<i32>} : memref<1024xf32, #tpu.memory_space<vmem>>, vector<16xf32>,
    %swap3A_119 = arith.constant 912 : index
    %swap3A_120 = tpu.vector_load %arg24[%swap3A_119] {strides = array<i32>} : memref<1024xf32, #tpu.memory_space<vmem>>, vector<16xf32>,
    tpu.vector_store %arg24[%swap3A_119], %broadcast_in_dim3A_5 {strides = array<i32>} : memref<1024xf32, #tpu.memory_space<vmem>>, vector<16xf32>,
    %swap3A_121 = arith.constant 928 : index
    %swap3A_122 = tpu.vector_load %arg24[%swap3A_121] {strides = array<i32>} : memref<1024xf32, #tpu.memory_space<vmem>>, vector<16xf32>,
    tpu.vector_store %arg24[%swap3A_121], %broadcast_in_dim3A_5 {strides = array<i32>} : memref<1024xf32, #tpu.memory_space<vmem>>, vector<16xf32>,
    %swap3A_123 = arith.constant 944 : index
    %swap3A_124 = tpu.vector_load %arg24[%swap3A_123] {strides = array<i32>} : memref<1024xf32, #tpu.memory_space<vmem>>, vector<16xf32>,
    tpu.vector_store %arg24[%swap3A_123], %broadcast_in_dim3A_5 {strides = array<i32>} : memref<1024xf32, #tpu.memory_space<vmem>>, vector<16xf32>,
    %swap3A_125 = arith.constant 960 : index
    %swap3A_126 = tpu.vector_load %arg24[%swap3A_125] {strides = array<i32>} : memref<1024xf32, #tpu.memory_space<vmem>>, vector<16xf32>,
    tpu.vector_store %arg24[%swap3A_125], %broadcast_in_dim3A_5 {strides = array<i32>} : memref<1024xf32, #tpu.memory_space<vmem>>, vector<16xf32>,
    %swap3A_127 = arith.constant 976 : index
    %swap3A_128 = tpu.vector_load %arg24[%swap3A_127] {strides = array<i32>} : memref<1024xf32, #tpu.memory_space<vmem>>, vector<16xf32>,
    tpu.vector_store %arg24[%swap3A_127], %broadcast_in_dim3A_5 {strides = array<i32>} : memref<1024xf32, #tpu.memory_space<vmem>>, vector<16xf32>,
    %swap3A_129 = arith.constant 992 : index
    %swap3A_130 = tpu.vector_load %arg24[%swap3A_129] {strides = array<i32>} : memref<1024xf32, #tpu.memory_space<vmem>>, vector<16xf32>,
    tpu.vector_store %arg24[%swap3A_129], %broadcast_in_dim3A_5 {strides = array<i32>} : memref<1024xf32, #tpu.memory_space<vmem>>, vector<16xf32>,
    %swap3A_131 = arith.constant 1008 : index
    %swap3A_132 = tpu.vector_load %arg24[%swap3A_131] {strides = array<i32>} : memref<1024xf32, #tpu.memory_space<vmem>>, vector<16xf32>,
    tpu.vector_store %arg24[%swap3A_131], %broadcast_in_dim3A_5 {strides = array<i32>} : memref<1024xf32, #tpu.memory_space<vmem>>, vector<16xf32>,
    %barrier3A = arith.constant 0 : index
    tpu.barrier barrier_id(%barrier3A)
    %broadcast_in_dim3A_133 = arith.constant 1.000000e+00 : f32
    %broadcast_in_dim3A_134 = vector.broadcast %broadcast_in_dim3A_133 : f32 to vector<16xf32>
    %scan3A = arith.constant 0 : i32
    %scan3A_135 = arith.constant 0 : i32
    %scan3A_136 = arith.constant 5 : i32
    %scan3A_137 = arith.addi %scan3A_135, %scan3A_136 : i32
    %scan3A_138 = arith.constant 1 : i32
    scf.for %scan3A_172 = %scan3A_135 to %scan3A_137 step %scan3A_138  : i32 {
      %mul3A_173 = arith.constant 6 : i32
      %mul3A_174 = arith.muli %scan3A_172, %mul3A_173 : i32
      %add3A_175 = arith.constant 0 : i32
      %add3A_176 = arith.addi %mul3A_174, %add3A_175 : i32
      %mul3A_177 = arith.constant 32 : i32
      %mul3A_178 = arith.muli %add3A_176, %mul3A_177 : i32
      %add3A_179 = arith.addi %add3A, %mul3A_178 : i32
      %gt3A = arith.constant 0 : i32
      %gt3A_180 = arith.cmpi sgt, %scan3A_172, %gt3A : i32
      %lt3A = arith.constant 781 : i32
      %lt3A_181 = arith.cmpi slt, %add3A_179, %lt3A : i32
      %and3A = arith.andi %gt3A_180, %lt3A_181 : i1
      %convert_element_type3A_182 = arith.extui %and3A : i1 to i32
      %cond3A_183 = arith.constant 0 : i32
      %cond3A_184 = arith.cmpi ne, %convert_element_type3A_182, %cond3A_183 : i32
      scf.if %cond3A_184 {
        %dma_wait3A_362 = arith.constant 0 : i32
        %dma_wait3A_363 = arith.constant 0 : i32
        %dma_wait3A_364 = tpu.memref_slice %arg25[%dma_wait3A_362, %dma_wait3A_363] : memref<1024x128xf32, #tpu.memory_space<vmem_shared>> -> memref<1024x128xf32, #tpu.memory_space<vmem_shared>>
        tpu.wait_indirect_dma semaphore(%arg33 : memref<!tpu.dma_semaphore, #tpu.memory_space<semaphore_mem>>) src(%arg9 : memref<128x128xf32, #tpu.memory_space<vmem>>) dst(%dma_wait3A_364 : memref<1024x128xf32, #tpu.memory_space<vmem_shared>>)
      } else {
      }
      %lt3A_185 = arith.constant 781 : i32
      %lt3A_186 = arith.cmpi slt, %add3A_179, %lt3A_185 : i32
      %convert_element_type3A_187 = arith.extui %lt3A_186 : i1 to i32
      %cond3A_188 = arith.constant 0 : i32
      %cond3A_189 = arith.cmpi ne, %convert_element_type3A_187, %cond3A_188 : i32
      scf.if %cond3A_189 {
        %mul3A_362 = arith.constant 128 : i32
        %mul3A_363 = arith.muli %add3A_179, %mul3A_362 : i32
        %dma_start3A_364 = arith.constant 0 : i32
        %dma_start3A_365 = tpu.memref_slice %arg2[%mul3A_363, %dma_start3A_364] : memref<100000x128xf32, #tpu.memory_space<hbm>> -> memref<128x128xf32, #tpu.memory_space<hbm>>
        %dma_start3A_366 = arith.constant 0 : i32
        %dma_start3A_367 = tpu.memref_slice %arg2[%mul3A_363, %dma_start3A_366] : memref<100000x128xf32, #tpu.memory_space<hbm>> -> memref<128x128xf32, #tpu.memory_space<hbm>>
        tpu.enqueue_dma source(%dma_start3A_367 : memref<128x128xf32, #tpu.memory_space<hbm>>) target(%arg9 : memref<128x128xf32, #tpu.memory_space<vmem>>) target_semaphore(%arg27 : memref<!tpu.dma_semaphore, #tpu.memory_space<semaphore_mem>>)
        %mul3A_368 = arith.constant 128 : i32
        %mul3A_369 = arith.muli %add3A_179, %mul3A_368 : i32
        %dma_start3A_370 = tpu.memref_slice %arg3[%mul3A_369] : memref<100000xi32, #tpu.memory_space<hbm>> -> memref<128xi32, #tpu.memory_space<hbm>>
        %dma_start3A_371 = tpu.memref_slice %arg3[%mul3A_369] : memref<100000xi32, #tpu.memory_space<hbm>> -> memref<128xi32, #tpu.memory_space<hbm>>
        tpu.enqueue_dma source(%dma_start3A_371 : memref<128xi32, #tpu.memory_space<hbm>>) target(%arg15 : memref<128xi32, #tpu.memory_space<vmem>>) target_semaphore(%arg27 : memref<!tpu.dma_semaphore, #tpu.memory_space<semaphore_mem>>)
      } else {
      }
      %mul3A_190 = arith.constant 6 : i32
      %mul3A_191 = arith.muli %scan3A_172, %mul3A_190 : i32
      %add3A_192 = arith.constant 1 : i32
      %add3A_193 = arith.addi %mul3A_191, %add3A_192 : i32
      %mul3A_194 = arith.constant 32 : i32
      %mul3A_195 = arith.muli %add3A_193, %mul3A_194 : i32
      %add3A_196 = arith.addi %add3A, %mul3A_195 : i32
      %gt3A_197 = arith.constant 0 : i32
      %gt3A_198 = arith.cmpi sgt, %scan3A_172, %gt3A_197 : i32
      %lt3A_199 = arith.constant 781 : i32
      %lt3A_200 = arith.cmpi slt, %add3A_196, %lt3A_199 : i32
      %and3A_201 = arith.andi %gt3A_198, %lt3A_200 : i1
      %convert_element_type3A_202 = arith.extui %and3A_201 : i1 to i32
      %cond3A_203 = arith.constant 0 : i32
      %cond3A_204 = arith.cmpi ne, %convert_element_type3A_202, %cond3A_203 : i32
      scf.if %cond3A_204 {
        %dma_wait3A_362 = arith.constant 0 : i32
        %dma_wait3A_363 = arith.constant 0 : i32
        %dma_wait3A_364 = tpu.memref_slice %arg25[%dma_wait3A_362, %dma_wait3A_363] : memref<1024x128xf32, #tpu.memory_space<vmem_shared>> -> memref<1024x128xf32, #tpu.memory_space<vmem_shared>>
        tpu.wait_indirect_dma semaphore(%arg34 : memref<!tpu.dma_semaphore, #tpu.memory_space<semaphore_mem>>) src(%arg10 : memref<128x128xf32, #tpu.memory_space<vmem>>) dst(%dma_wait3A_364 : memref<1024x128xf32, #tpu.memory_space<vmem_shared>>)
      } else {
      }
      %lt3A_205 = arith.constant 781 : i32
      %lt3A_206 = arith.cmpi slt, %add3A_196, %lt3A_205 : i32
      %convert_element_type3A_207 = arith.extui %lt3A_206 : i1 to i32
      %cond3A_208 = arith.constant 0 : i32
      %cond3A_209 = arith.cmpi ne, %convert_element_type3A_207, %cond3A_208 : i32
      scf.if %cond3A_209 {
        %mul3A_362 = arith.constant 128 : i32
        %mul3A_363 = arith.muli %add3A_196, %mul3A_362 : i32
        %dma_start3A_364 = arith.constant 0 : i32
        %dma_start3A_365 = tpu.memref_slice %arg2[%mul3A_363, %dma_start3A_364] : memref<100000x128xf32, #tpu.memory_space<hbm>> -> memref<128x128xf32, #tpu.memory_space<hbm>>
        %dma_start3A_366 = arith.constant 0 : i32
        %dma_start3A_367 = tpu.memref_slice %arg2[%mul3A_363, %dma_start3A_366] : memref<100000x128xf32, #tpu.memory_space<hbm>> -> memref<128x128xf32, #tpu.memory_space<hbm>>
        tpu.enqueue_dma source(%dma_start3A_367 : memref<128x128xf32, #tpu.memory_space<hbm>>) target(%arg10 : memref<128x128xf32, #tpu.memory_space<vmem>>) target_semaphore(%arg28 : memref<!tpu.dma_semaphore, #tpu.memory_space<semaphore_mem>>)
        %mul3A_368 = arith.constant 128 : i32
        %mul3A_369 = arith.muli %add3A_196, %mul3A_368 : i32
        %dma_start3A_370 = tpu.memref_slice %arg3[%mul3A_369] : memref<100000xi32, #tpu.memory_space<hbm>> -> memref<128xi32, #tpu.memory_space<hbm>>
        %dma_start3A_371 = tpu.memref_slice %arg3[%mul3A_369] : memref<100000xi32, #tpu.memory_space<hbm>> -> memref<128xi32, #tpu.memory_space<hbm>>
        tpu.enqueue_dma source(%dma_start3A_371 : memref<128xi32, #tpu.memory_space<hbm>>) target(%arg16 : memref<128xi32, #tpu.memory_space<vmem>>) target_semaphore(%arg28 : memref<!tpu.dma_semaphore, #tpu.memory_space<semaphore_mem>>)
      } else {
      }
      %mul3A_210 = arith.constant 6 : i32
      %mul3A_211 = arith.muli %scan3A_172, %mul3A_210 : i32
      %add3A_212 = arith.constant 2 : i32
      %add3A_213 = arith.addi %mul3A_211, %add3A_212 : i32
      %mul3A_214 = arith.constant 32 : i32
      %mul3A_215 = arith.muli %add3A_213, %mul3A_214 : i32
      %add3A_216 = arith.addi %add3A, %mul3A_215 : i32
      %gt3A_217 = arith.constant 0 : i32
      %gt3A_218 = arith.cmpi sgt, %scan3A_172, %gt3A_217 : i32
      %lt3A_219 = arith.constant 781 : i32
      %lt3A_220 = arith.cmpi slt, %add3A_216, %lt3A_219 : i32
      %and3A_221 = arith.andi %gt3A_218, %lt3A_220 : i1
      %convert_element_type3A_222 = arith.extui %and3A_221 : i1 to i32
      %cond3A_223 = arith.constant 0 : i32
      %cond3A_224 = arith.cmpi ne, %convert_element_type3A_222, %cond3A_223 : i32
      scf.if %cond3A_224 {
        %dma_wait3A_362 = arith.constant 0 : i32
        %dma_wait3A_363 = arith.constant 0 : i32
        %dma_wait3A_364 = tpu.memref_slice %arg25[%dma_wait3A_362, %dma_wait3A_363] : memref<1024x128xf32, #tpu.memory_space<vmem_shared>> -> memref<1024x128xf32, #tpu.memory_space<vmem_shared>>
        tpu.wait_indirect_dma semaphore(%arg35 : memref<!tpu.dma_semaphore, #tpu.memory_space<semaphore_mem>>) src(%arg11 : memref<128x128xf32, #tpu.memory_space<vmem>>) dst(%dma_wait3A_364 : memref<1024x128xf32, #tpu.memory_space<vmem_shared>>)
      } else {
      }
      %lt3A_225 = arith.constant 781 : i32
      %lt3A_226 = arith.cmpi slt, %add3A_216, %lt3A_225 : i32
      %convert_element_type3A_227 = arith.extui %lt3A_226 : i1 to i32
      %cond3A_228 = arith.constant 0 : i32
      %cond3A_229 = arith.cmpi ne, %convert_element_type3A_227, %cond3A_228 : i32
      scf.if %cond3A_229 {
        %mul3A_362 = arith.constant 128 : i32
        %mul3A_363 = arith.muli %add3A_216, %mul3A_362 : i32
        %dma_start3A_364 = arith.constant 0 : i32
        %dma_start3A_365 = tpu.memref_slice %arg2[%mul3A_363, %dma_start3A_364] : memref<100000x128xf32, #tpu.memory_space<hbm>> -> memref<128x128xf32, #tpu.memory_space<hbm>>
        %dma_start3A_366 = arith.constant 0 : i32
        %dma_start3A_367 = tpu.memref_slice %arg2[%mul3A_363, %dma_start3A_366] : memref<100000x128xf32, #tpu.memory_space<hbm>> -> memref<128x128xf32, #tpu.memory_space<hbm>>
        tpu.enqueue_dma source(%dma_start3A_367 : memref<128x128xf32, #tpu.memory_space<hbm>>) target(%arg11 : memref<128x128xf32, #tpu.memory_space<vmem>>) target_semaphore(%arg29 : memref<!tpu.dma_semaphore, #tpu.memory_space<semaphore_mem>>)
        %mul3A_368 = arith.constant 128 : i32
        %mul3A_369 = arith.muli %add3A_216, %mul3A_368 : i32
        %dma_start3A_370 = tpu.memref_slice %arg3[%mul3A_369] : memref<100000xi32, #tpu.memory_space<hbm>> -> memref<128xi32, #tpu.memory_space<hbm>>
        %dma_start3A_371 = tpu.memref_slice %arg3[%mul3A_369] : memref<100000xi32, #tpu.memory_space<hbm>> -> memref<128xi32, #tpu.memory_space<hbm>>
        tpu.enqueue_dma source(%dma_start3A_371 : memref<128xi32, #tpu.memory_space<hbm>>) target(%arg17 : memref<128xi32, #tpu.memory_space<vmem>>) target_semaphore(%arg29 : memref<!tpu.dma_semaphore, #tpu.memory_space<semaphore_mem>>)
      } else {
      }
      %mul3A_230 = arith.constant 6 : i32
      %mul3A_231 = arith.muli %scan3A_172, %mul3A_230 : i32
      %add3A_232 = arith.constant 3 : i32
      %add3A_233 = arith.addi %mul3A_231, %add3A_232 : i32
      %mul3A_234 = arith.constant 32 : i32
      %mul3A_235 = arith.muli %add3A_233, %mul3A_234 : i32
      %add3A_236 = arith.addi %add3A, %mul3A_235 : i32
      %gt3A_237 = arith.constant 0 : i32
      %gt3A_238 = arith.cmpi sgt, %scan3A_172, %gt3A_237 : i32
      %lt3A_239 = arith.constant 781 : i32
      %lt3A_240 = arith.cmpi slt, %add3A_236, %lt3A_239 : i32
      %and3A_241 = arith.andi %gt3A_238, %lt3A_240 : i1
      %convert_element_type3A_242 = arith.extui %and3A_241 : i1 to i32
      %cond3A_243 = arith.constant 0 : i32
      %cond3A_244 = arith.cmpi ne, %convert_element_type3A_242, %cond3A_243 : i32
      scf.if %cond3A_244 {
        %dma_wait3A_362 = arith.constant 0 : i32
        %dma_wait3A_363 = arith.constant 0 : i32
        %dma_wait3A_364 = tpu.memref_slice %arg25[%dma_wait3A_362, %dma_wait3A_363] : memref<1024x128xf32, #tpu.memory_space<vmem_shared>> -> memref<1024x128xf32, #tpu.memory_space<vmem_shared>>
        tpu.wait_indirect_dma semaphore(%arg36 : memref<!tpu.dma_semaphore, #tpu.memory_space<semaphore_mem>>) src(%arg12 : memref<128x128xf32, #tpu.memory_space<vmem>>) dst(%dma_wait3A_364 : memref<1024x128xf32, #tpu.memory_space<vmem_shared>>)
      } else {
      }
      %lt3A_245 = arith.constant 781 : i32
      %lt3A_246 = arith.cmpi slt, %add3A_236, %lt3A_245 : i32
      %convert_element_type3A_247 = arith.extui %lt3A_246 : i1 to i32
      %cond3A_248 = arith.constant 0 : i32
      %cond3A_249 = arith.cmpi ne, %convert_element_type3A_247, %cond3A_248 : i32
      scf.if %cond3A_249 {
        %mul3A_362 = arith.constant 128 : i32
        %mul3A_363 = arith.muli %add3A_236, %mul3A_362 : i32
        %dma_start3A_364 = arith.constant 0 : i32
        %dma_start3A_365 = tpu.memref_slice %arg2[%mul3A_363, %dma_start3A_364] : memref<100000x128xf32, #tpu.memory_space<hbm>> -> memref<128x128xf32, #tpu.memory_space<hbm>>
        %dma_start3A_366 = arith.constant 0 : i32
        %dma_start3A_367 = tpu.memref_slice %arg2[%mul3A_363, %dma_start3A_366] : memref<100000x128xf32, #tpu.memory_space<hbm>> -> memref<128x128xf32, #tpu.memory_space<hbm>>
        tpu.enqueue_dma source(%dma_start3A_367 : memref<128x128xf32, #tpu.memory_space<hbm>>) target(%arg12 : memref<128x128xf32, #tpu.memory_space<vmem>>) target_semaphore(%arg30 : memref<!tpu.dma_semaphore, #tpu.memory_space<semaphore_mem>>)
        %mul3A_368 = arith.constant 128 : i32
        %mul3A_369 = arith.muli %add3A_236, %mul3A_368 : i32
        %dma_start3A_370 = tpu.memref_slice %arg3[%mul3A_369] : memref<100000xi32, #tpu.memory_space<hbm>> -> memref<128xi32, #tpu.memory_space<hbm>>
        %dma_start3A_371 = tpu.memref_slice %arg3[%mul3A_369] : memref<100000xi32, #tpu.memory_space<hbm>> -> memref<128xi32, #tpu.memory_space<hbm>>
        tpu.enqueue_dma source(%dma_start3A_371 : memref<128xi32, #tpu.memory_space<hbm>>) target(%arg18 : memref<128xi32, #tpu.memory_space<vmem>>) target_semaphore(%arg30 : memref<!tpu.dma_semaphore, #tpu.memory_space<semaphore_mem>>)
      } else {
      }
      %mul3A_250 = arith.constant 6 : i32
      %mul3A_251 = arith.muli %scan3A_172, %mul3A_250 : i32
      %add3A_252 = arith.constant 4 : i32
      %add3A_253 = arith.addi %mul3A_251, %add3A_252 : i32
      %mul3A_254 = arith.constant 32 : i32
      %mul3A_255 = arith.muli %add3A_253, %mul3A_254 : i32
      %add3A_256 = arith.addi %add3A, %mul3A_255 : i32
      %gt3A_257 = arith.constant 0 : i32
      %gt3A_258 = arith.cmpi sgt, %scan3A_172, %gt3A_257 : i32
      %lt3A_259 = arith.constant 781 : i32
      %lt3A_260 = arith.cmpi slt, %add3A_256, %lt3A_259 : i32
      %and3A_261 = arith.andi %gt3A_258, %lt3A_260 : i1
      %convert_element_type3A_262 = arith.extui %and3A_261 : i1 to i32
      %cond3A_263 = arith.constant 0 : i32
      %cond3A_264 = arith.cmpi ne, %convert_element_type3A_262, %cond3A_263 : i32
      scf.if %cond3A_264 {
        %dma_wait3A_362 = arith.constant 0 : i32
        %dma_wait3A_363 = arith.constant 0 : i32
        %dma_wait3A_364 = tpu.memref_slice %arg25[%dma_wait3A_362, %dma_wait3A_363] : memref<1024x128xf32, #tpu.memory_space<vmem_shared>> -> memref<1024x128xf32, #tpu.memory_space<vmem_shared>>
        tpu.wait_indirect_dma semaphore(%arg37 : memref<!tpu.dma_semaphore, #tpu.memory_space<semaphore_mem>>) src(%arg13 : memref<128x128xf32, #tpu.memory_space<vmem>>) dst(%dma_wait3A_364 : memref<1024x128xf32, #tpu.memory_space<vmem_shared>>)
      } else {
      }
      %lt3A_265 = arith.constant 781 : i32
      %lt3A_266 = arith.cmpi slt, %add3A_256, %lt3A_265 : i32
      %convert_element_type3A_267 = arith.extui %lt3A_266 : i1 to i32
      %cond3A_268 = arith.constant 0 : i32
      %cond3A_269 = arith.cmpi ne, %convert_element_type3A_267, %cond3A_268 : i32
      scf.if %cond3A_269 {
        %mul3A_362 = arith.constant 128 : i32
        %mul3A_363 = arith.muli %add3A_256, %mul3A_362 : i32
        %dma_start3A_364 = arith.constant 0 : i32
        %dma_start3A_365 = tpu.memref_slice %arg2[%mul3A_363, %dma_start3A_364] : memref<100000x128xf32, #tpu.memory_space<hbm>> -> memref<128x128xf32, #tpu.memory_space<hbm>>
        %dma_start3A_366 = arith.constant 0 : i32
        %dma_start3A_367 = tpu.memref_slice %arg2[%mul3A_363, %dma_start3A_366] : memref<100000x128xf32, #tpu.memory_space<hbm>> -> memref<128x128xf32, #tpu.memory_space<hbm>>
        tpu.enqueue_dma source(%dma_start3A_367 : memref<128x128xf32, #tpu.memory_space<hbm>>) target(%arg13 : memref<128x128xf32, #tpu.memory_space<vmem>>) target_semaphore(%arg31 : memref<!tpu.dma_semaphore, #tpu.memory_space<semaphore_mem>>)
        %mul3A_368 = arith.constant 128 : i32
        %mul3A_369 = arith.muli %add3A_256, %mul3A_368 : i32
        %dma_start3A_370 = tpu.memref_slice %arg3[%mul3A_369] : memref<100000xi32, #tpu.memory_space<hbm>> -> memref<128xi32, #tpu.memory_space<hbm>>
        %dma_start3A_371 = tpu.memref_slice %arg3[%mul3A_369] : memref<100000xi32, #tpu.memory_space<hbm>> -> memref<128xi32, #tpu.memory_space<hbm>>
        tpu.enqueue_dma source(%dma_start3A_371 : memref<128xi32, #tpu.memory_space<hbm>>) target(%arg19 : memref<128xi32, #tpu.memory_space<vmem>>) target_semaphore(%arg31 : memref<!tpu.dma_semaphore, #tpu.memory_space<semaphore_mem>>)
      } else {
      }
      %mul3A_270 = arith.constant 6 : i32
      %mul3A_271 = arith.muli %scan3A_172, %mul3A_270 : i32
      %add3A_272 = arith.constant 5 : i32
      %add3A_273 = arith.addi %mul3A_271, %add3A_272 : i32
      %mul3A_274 = arith.constant 32 : i32
      %mul3A_275 = arith.muli %add3A_273, %mul3A_274 : i32
      %add3A_276 = arith.addi %add3A, %mul3A_275 : i32
      %gt3A_277 = arith.constant 0 : i32
      %gt3A_278 = arith.cmpi sgt, %scan3A_172, %gt3A_277 : i32
      %lt3A_279 = arith.constant 781 : i32
      %lt3A_280 = arith.cmpi slt, %add3A_276, %lt3A_279 : i32
      %and3A_281 = arith.andi %gt3A_278, %lt3A_280 : i1
      %convert_element_type3A_282 = arith.extui %and3A_281 : i1 to i32
      %cond3A_283 = arith.constant 0 : i32
      %cond3A_284 = arith.cmpi ne, %convert_element_type3A_282, %cond3A_283 : i32
      scf.if %cond3A_284 {
        %dma_wait3A_362 = arith.constant 0 : i32
        %dma_wait3A_363 = arith.constant 0 : i32
        %dma_wait3A_364 = tpu.memref_slice %arg25[%dma_wait3A_362, %dma_wait3A_363] : memref<1024x128xf32, #tpu.memory_space<vmem_shared>> -> memref<1024x128xf32, #tpu.memory_space<vmem_shared>>
        tpu.wait_indirect_dma semaphore(%arg38 : memref<!tpu.dma_semaphore, #tpu.memory_space<semaphore_mem>>) src(%arg14 : memref<128x128xf32, #tpu.memory_space<vmem>>) dst(%dma_wait3A_364 : memref<1024x128xf32, #tpu.memory_space<vmem_shared>>)
      } else {
      }
      %lt3A_285 = arith.constant 781 : i32
      %lt3A_286 = arith.cmpi slt, %add3A_276, %lt3A_285 : i32
      %convert_element_type3A_287 = arith.extui %lt3A_286 : i1 to i32
      %cond3A_288 = arith.constant 0 : i32
      %cond3A_289 = arith.cmpi ne, %convert_element_type3A_287, %cond3A_288 : i32
      scf.if %cond3A_289 {
        %mul3A_362 = arith.constant 128 : i32
        %mul3A_363 = arith.muli %add3A_276, %mul3A_362 : i32
        %dma_start3A_364 = arith.constant 0 : i32
        %dma_start3A_365 = tpu.memref_slice %arg2[%mul3A_363, %dma_start3A_364] : memref<100000x128xf32, #tpu.memory_space<hbm>> -> memref<128x128xf32, #tpu.memory_space<hbm>>
        %dma_start3A_366 = arith.constant 0 : i32
        %dma_start3A_367 = tpu.memref_slice %arg2[%mul3A_363, %dma_start3A_366] : memref<100000x128xf32, #tpu.memory_space<hbm>> -> memref<128x128xf32, #tpu.memory_space<hbm>>
        tpu.enqueue_dma source(%dma_start3A_367 : memref<128x128xf32, #tpu.memory_space<hbm>>) target(%arg14 : memref<128x128xf32, #tpu.memory_space<vmem>>) target_semaphore(%arg32 : memref<!tpu.dma_semaphore, #tpu.memory_space<semaphore_mem>>)
        %mul3A_368 = arith.constant 128 : i32
        %mul3A_369 = arith.muli %add3A_276, %mul3A_368 : i32
        %dma_start3A_370 = tpu.memref_slice %arg3[%mul3A_369] : memref<100000xi32, #tpu.memory_space<hbm>> -> memref<128xi32, #tpu.memory_space<hbm>>
        %dma_start3A_371 = tpu.memref_slice %arg3[%mul3A_369] : memref<100000xi32, #tpu.memory_space<hbm>> -> memref<128xi32, #tpu.memory_space<hbm>>
        tpu.enqueue_dma source(%dma_start3A_371 : memref<128xi32, #tpu.memory_space<hbm>>) target(%arg20 : memref<128xi32, #tpu.memory_space<vmem>>) target_semaphore(%arg32 : memref<!tpu.dma_semaphore, #tpu.memory_space<semaphore_mem>>)
      } else {
      }
      %mul3A_290 = arith.constant 6 : i32
      %mul3A_291 = arith.muli %scan3A_172, %mul3A_290 : i32
      %add3A_292 = arith.constant 0 : i32
      %add3A_293 = arith.addi %mul3A_291, %add3A_292 : i32
      %mul3A_294 = arith.constant 32 : i32
      %mul3A_295 = arith.muli %add3A_293, %mul3A_294 : i32
      %add3A_296 = arith.addi %add3A, %mul3A_295 : i32
      %lt3A_297 = arith.constant 781 : i32
      %lt3A_298 = arith.cmpi slt, %add3A_296, %lt3A_297 : i32
      %convert_element_type3A_299 = arith.extui %lt3A_298 : i1 to i32
      %cond3A_300 = arith.constant 0 : i32
      %cond3A_301 = arith.cmpi ne, %convert_element_type3A_299, %cond3A_300 : i32
      scf.if %cond3A_301 {
        %mul3A_362 = arith.constant 128 : i32
        %mul3A_363 = arith.muli %add3A_296, %mul3A_362 : i32
        %dma_wait3A_364 = arith.constant 0 : i32
        %dma_wait3A_365 = tpu.memref_slice %arg2[%mul3A_363, %dma_wait3A_364] : memref<100000x128xf32, #tpu.memory_space<hbm>> -> memref<128x128xf32, #tpu.memory_space<hbm>>
        %dma_wait3A_366 = arith.constant 0 : i32
        %dma_wait3A_367 = tpu.memref_slice %arg2[%mul3A_363, %dma_wait3A_366] : memref<100000x128xf32, #tpu.memory_space<hbm>> -> memref<128x128xf32, #tpu.memory_space<hbm>>
        tpu.wait_dma2 semaphore(%arg27 : memref<!tpu.dma_semaphore, #tpu.memory_space<semaphore_mem>>) src(%dma_wait3A_367 : memref<128x128xf32, #tpu.memory_space<hbm>>) dst(%arg9 : memref<128x128xf32, #tpu.memory_space<vmem>>)
        %mul3A_368 = arith.constant 128 : i32
        %mul3A_369 = arith.muli %add3A_296, %mul3A_368 : i32
        %dma_wait3A_370 = tpu.memref_slice %arg3[%mul3A_369] : memref<100000xi32, #tpu.memory_space<hbm>> -> memref<128xi32, #tpu.memory_space<hbm>>
        %dma_wait3A_371 = tpu.memref_slice %arg3[%mul3A_369] : memref<100000xi32, #tpu.memory_space<hbm>> -> memref<128xi32, #tpu.memory_space<hbm>>
        tpu.wait_dma2 semaphore(%arg27 : memref<!tpu.dma_semaphore, #tpu.memory_space<semaphore_mem>>) src(%dma_wait3A_371 : memref<128xi32, #tpu.memory_space<hbm>>) dst(%arg15 : memref<128xi32, #tpu.memory_space<vmem>>)
        %dma_start3A_372 = arith.constant 0 : i32
        %dma_start3A_373 = arith.constant 0 : i32
        %dma_start3A_374 = tpu.memref_slice %arg25[%dma_start3A_372, %dma_start3A_373] : memref<1024x128xf32, #tpu.memory_space<vmem_shared>> -> memref<1024x128xf32, #tpu.memory_space<vmem_shared>>
        tpu.enqueue_indirect_dma source(%arg9 : memref<128x128xf32, #tpu.memory_space<vmem>>) target(%dma_start3A_374 : memref<1024x128xf32, #tpu.memory_space<vmem_shared>>) offsets(%arg15 : memref<128xi32, #tpu.memory_space<vmem>>) semaphore(%arg33 : memref<!tpu.dma_semaphore, #tpu.memory_space<semaphore_mem>>) {add = true}
        %get3A = arith.constant 0 : index
        %get3A_375 = tpu.vector_load %arg15[%get3A] {strides = array<i32>} : memref<128xi32, #tpu.memory_space<vmem>>, vector<16xi32>,
        tpu.vector_store_idx %arg24[%get3A_375], %broadcast_in_dim3A_134 {add = true} : memref<1024xf32, #tpu.memory_space<vmem>>[vector<16xi32>], vector<16xf32>,
        %get3A_376 = arith.constant 16 : index
        %get3A_377 = tpu.vector_load %arg15[%get3A_376] {strides = array<i32>} : memref<128xi32, #tpu.memory_space<vmem>>, vector<16xi32>,
        tpu.vector_store_idx %arg24[%get3A_377], %broadcast_in_dim3A_134 {add = true} : memref<1024xf32, #tpu.memory_space<vmem>>[vector<16xi32>], vector<16xf32>,
        %get3A_378 = arith.constant 32 : index
        %get3A_379 = tpu.vector_load %arg15[%get3A_378] {strides = array<i32>} : memref<128xi32, #tpu.memory_space<vmem>>, vector<16xi32>,
        tpu.vector_store_idx %arg24[%get3A_379], %broadcast_in_dim3A_134 {add = true} : memref<1024xf32, #tpu.memory_space<vmem>>[vector<16xi32>], vector<16xf32>,
        %get3A_380 = arith.constant 48 : index
        %get3A_381 = tpu.vector_load %arg15[%get3A_380] {strides = array<i32>} : memref<128xi32, #tpu.memory_space<vmem>>, vector<16xi32>,
        tpu.vector_store_idx %arg24[%get3A_381], %broadcast_in_dim3A_134 {add = true} : memref<1024xf32, #tpu.memory_space<vmem>>[vector<16xi32>], vector<16xf32>,
        %get3A_382 = arith.constant 64 : index
        %get3A_383 = tpu.vector_load %arg15[%get3A_382] {strides = array<i32>} : memref<128xi32, #tpu.memory_space<vmem>>, vector<16xi32>,
        tpu.vector_store_idx %arg24[%get3A_383], %broadcast_in_dim3A_134 {add = true} : memref<1024xf32, #tpu.memory_space<vmem>>[vector<16xi32>], vector<16xf32>,
        %get3A_384 = arith.constant 80 : index
        %get3A_385 = tpu.vector_load %arg15[%get3A_384] {strides = array<i32>} : memref<128xi32, #tpu.memory_space<vmem>>, vector<16xi32>,
        tpu.vector_store_idx %arg24[%get3A_385], %broadcast_in_dim3A_134 {add = true} : memref<1024xf32, #tpu.memory_space<vmem>>[vector<16xi32>], vector<16xf32>,
        %get3A_386 = arith.constant 96 : index
        %get3A_387 = tpu.vector_load %arg15[%get3A_386] {strides = array<i32>} : memref<128xi32, #tpu.memory_space<vmem>>, vector<16xi32>,
        tpu.vector_store_idx %arg24[%get3A_387], %broadcast_in_dim3A_134 {add = true} : memref<1024xf32, #tpu.memory_space<vmem>>[vector<16xi32>], vector<16xf32>,
        %get3A_388 = arith.constant 112 : index
        %get3A_389 = tpu.vector_load %arg15[%get3A_388] {strides = array<i32>} : memref<128xi32, #tpu.memory_space<vmem>>, vector<16xi32>,
        tpu.vector_store_idx %arg24[%get3A_389], %broadcast_in_dim3A_134 {add = true} : memref<1024xf32, #tpu.memory_space<vmem>>[vector<16xi32>], vector<16xf32>,
      } else {
      }
      %mul3A_302 = arith.constant 6 : i32
      %mul3A_303 = arith.muli %scan3A_172, %mul3A_302 : i32
      %add3A_304 = arith.constant 1 : i32
      %add3A_305 = arith.addi %mul3A_303, %add3A_304 : i32
      %mul3A_306 = arith.constant 32 : i32
      %mul3A_307 = arith.muli %add3A_305, %mul3A_306 : i32
      %add3A_308 = arith.addi %add3A, %mul3A_307 : i32
      %lt3A_309 = arith.constant 781 : i32
      %lt3A_310 = arith.cmpi slt, %add3A_308, %lt3A_309 : i32
      %convert_element_type3A_311 = arith.extui %lt3A_310 : i1 to i32
      %cond3A_312 = arith.constant 0 : i32
      %cond3A_313 = arith.cmpi ne, %convert_element_type3A_311, %cond3A_312 : i32
      scf.if %cond3A_313 {
        %mul3A_362 = arith.constant 128 : i32
        %mul3A_363 = arith.muli %add3A_308, %mul3A_362 : i32
        %dma_wait3A_364 = arith.constant 0 : i32
        %dma_wait3A_365 = tpu.memref_slice %arg2[%mul3A_363, %dma_wait3A_364] : memref<100000x128xf32, #tpu.memory_space<hbm>> -> memref<128x128xf32, #tpu.memory_space<hbm>>
        %dma_wait3A_366 = arith.constant 0 : i32
        %dma_wait3A_367 = tpu.memref_slice %arg2[%mul3A_363, %dma_wait3A_366] : memref<100000x128xf32, #tpu.memory_space<hbm>> -> memref<128x128xf32, #tpu.memory_space<hbm>>
        tpu.wait_dma2 semaphore(%arg28 : memref<!tpu.dma_semaphore, #tpu.memory_space<semaphore_mem>>) src(%dma_wait3A_367 : memref<128x128xf32, #tpu.memory_space<hbm>>) dst(%arg10 : memref<128x128xf32, #tpu.memory_space<vmem>>)
        %mul3A_368 = arith.constant 128 : i32
        %mul3A_369 = arith.muli %add3A_308, %mul3A_368 : i32
        %dma_wait3A_370 = tpu.memref_slice %arg3[%mul3A_369] : memref<100000xi32, #tpu.memory_space<hbm>> -> memref<128xi32, #tpu.memory_space<hbm>>
        %dma_wait3A_371 = tpu.memref_slice %arg3[%mul3A_369] : memref<100000xi32, #tpu.memory_space<hbm>> -> memref<128xi32, #tpu.memory_space<hbm>>
        tpu.wait_dma2 semaphore(%arg28 : memref<!tpu.dma_semaphore, #tpu.memory_space<semaphore_mem>>) src(%dma_wait3A_371 : memref<128xi32, #tpu.memory_space<hbm>>) dst(%arg16 : memref<128xi32, #tpu.memory_space<vmem>>)
        %dma_start3A_372 = arith.constant 0 : i32
        %dma_start3A_373 = arith.constant 0 : i32
        %dma_start3A_374 = tpu.memref_slice %arg25[%dma_start3A_372, %dma_start3A_373] : memref<1024x128xf32, #tpu.memory_space<vmem_shared>> -> memref<1024x128xf32, #tpu.memory_space<vmem_shared>>
        tpu.enqueue_indirect_dma source(%arg10 : memref<128x128xf32, #tpu.memory_space<vmem>>) target(%dma_start3A_374 : memref<1024x128xf32, #tpu.memory_space<vmem_shared>>) offsets(%arg16 : memref<128xi32, #tpu.memory_space<vmem>>) semaphore(%arg34 : memref<!tpu.dma_semaphore, #tpu.memory_space<semaphore_mem>>) {add = true}
        %get3A = arith.constant 0 : index
        %get3A_375 = tpu.vector_load %arg16[%get3A] {strides = array<i32>} : memref<128xi32, #tpu.memory_space<vmem>>, vector<16xi32>,
        tpu.vector_store_idx %arg24[%get3A_375], %broadcast_in_dim3A_134 {add = true} : memref<1024xf32, #tpu.memory_space<vmem>>[vector<16xi32>], vector<16xf32>,
        %get3A_376 = arith.constant 16 : index
        %get3A_377 = tpu.vector_load %arg16[%get3A_376] {strides = array<i32>} : memref<128xi32, #tpu.memory_space<vmem>>, vector<16xi32>,
        tpu.vector_store_idx %arg24[%get3A_377], %broadcast_in_dim3A_134 {add = true} : memref<1024xf32, #tpu.memory_space<vmem>>[vector<16xi32>], vector<16xf32>,
        %get3A_378 = arith.constant 32 : index
        %get3A_379 = tpu.vector_load %arg16[%get3A_378] {strides = array<i32>} : memref<128xi32, #tpu.memory_space<vmem>>, vector<16xi32>,
        tpu.vector_store_idx %arg24[%get3A_379], %broadcast_in_dim3A_134 {add = true} : memref<1024xf32, #tpu.memory_space<vmem>>[vector<16xi32>], vector<16xf32>,
        %get3A_380 = arith.constant 48 : index
        %get3A_381 = tpu.vector_load %arg16[%get3A_380] {strides = array<i32>} : memref<128xi32, #tpu.memory_space<vmem>>, vector<16xi32>,
        tpu.vector_store_idx %arg24[%get3A_381], %broadcast_in_dim3A_134 {add = true} : memref<1024xf32, #tpu.memory_space<vmem>>[vector<16xi32>], vector<16xf32>,
        %get3A_382 = arith.constant 64 : index
        %get3A_383 = tpu.vector_load %arg16[%get3A_382] {strides = array<i32>} : memref<128xi32, #tpu.memory_space<vmem>>, vector<16xi32>,
        tpu.vector_store_idx %arg24[%get3A_383], %broadcast_in_dim3A_134 {add = true} : memref<1024xf32, #tpu.memory_space<vmem>>[vector<16xi32>], vector<16xf32>,
        %get3A_384 = arith.constant 80 : index
        %get3A_385 = tpu.vector_load %arg16[%get3A_384] {strides = array<i32>} : memref<128xi32, #tpu.memory_space<vmem>>, vector<16xi32>,
        tpu.vector_store_idx %arg24[%get3A_385], %broadcast_in_dim3A_134 {add = true} : memref<1024xf32, #tpu.memory_space<vmem>>[vector<16xi32>], vector<16xf32>,
        %get3A_386 = arith.constant 96 : index
        %get3A_387 = tpu.vector_load %arg16[%get3A_386] {strides = array<i32>} : memref<128xi32, #tpu.memory_space<vmem>>, vector<16xi32>,
        tpu.vector_store_idx %arg24[%get3A_387], %broadcast_in_dim3A_134 {add = true} : memref<1024xf32, #tpu.memory_space<vmem>>[vector<16xi32>], vector<16xf32>,
        %get3A_388 = arith.constant 112 : index
        %get3A_389 = tpu.vector_load %arg16[%get3A_388] {strides = array<i32>} : memref<128xi32, #tpu.memory_space<vmem>>, vector<16xi32>,
        tpu.vector_store_idx %arg24[%get3A_389], %broadcast_in_dim3A_134 {add = true} : memref<1024xf32, #tpu.memory_space<vmem>>[vector<16xi32>], vector<16xf32>,
      } else {
      }
      %mul3A_314 = arith.constant 6 : i32
      %mul3A_315 = arith.muli %scan3A_172, %mul3A_314 : i32
      %add3A_316 = arith.constant 2 : i32
      %add3A_317 = arith.addi %mul3A_315, %add3A_316 : i32
      %mul3A_318 = arith.constant 32 : i32
      %mul3A_319 = arith.muli %add3A_317, %mul3A_318 : i32
      %add3A_320 = arith.addi %add3A, %mul3A_319 : i32
      %lt3A_321 = arith.constant 781 : i32
      %lt3A_322 = arith.cmpi slt, %add3A_320, %lt3A_321 : i32
      %convert_element_type3A_323 = arith.extui %lt3A_322 : i1 to i32
      %cond3A_324 = arith.constant 0 : i32
      %cond3A_325 = arith.cmpi ne, %convert_element_type3A_323, %cond3A_324 : i32
      scf.if %cond3A_325 {
        %mul3A_362 = arith.constant 128 : i32
        %mul3A_363 = arith.muli %add3A_320, %mul3A_362 : i32
        %dma_wait3A_364 = arith.constant 0 : i32
        %dma_wait3A_365 = tpu.memref_slice %arg2[%mul3A_363, %dma_wait3A_364] : memref<100000x128xf32, #tpu.memory_space<hbm>> -> memref<128x128xf32, #tpu.memory_space<hbm>>
        %dma_wait3A_366 = arith.constant 0 : i32
        %dma_wait3A_367 = tpu.memref_slice %arg2[%mul3A_363, %dma_wait3A_366] : memref<100000x128xf32, #tpu.memory_space<hbm>> -> memref<128x128xf32, #tpu.memory_space<hbm>>
        tpu.wait_dma2 semaphore(%arg29 : memref<!tpu.dma_semaphore, #tpu.memory_space<semaphore_mem>>) src(%dma_wait3A_367 : memref<128x128xf32, #tpu.memory_space<hbm>>) dst(%arg11 : memref<128x128xf32, #tpu.memory_space<vmem>>)
        %mul3A_368 = arith.constant 128 : i32
        %mul3A_369 = arith.muli %add3A_320, %mul3A_368 : i32
        %dma_wait3A_370 = tpu.memref_slice %arg3[%mul3A_369] : memref<100000xi32, #tpu.memory_space<hbm>> -> memref<128xi32, #tpu.memory_space<hbm>>
        %dma_wait3A_371 = tpu.memref_slice %arg3[%mul3A_369] : memref<100000xi32, #tpu.memory_space<hbm>> -> memref<128xi32, #tpu.memory_space<hbm>>
        tpu.wait_dma2 semaphore(%arg29 : memref<!tpu.dma_semaphore, #tpu.memory_space<semaphore_mem>>) src(%dma_wait3A_371 : memref<128xi32, #tpu.memory_space<hbm>>) dst(%arg17 : memref<128xi32, #tpu.memory_space<vmem>>)
        %dma_start3A_372 = arith.constant 0 : i32
        %dma_start3A_373 = arith.constant 0 : i32
        %dma_start3A_374 = tpu.memref_slice %arg25[%dma_start3A_372, %dma_start3A_373] : memref<1024x128xf32, #tpu.memory_space<vmem_shared>> -> memref<1024x128xf32, #tpu.memory_space<vmem_shared>>
        tpu.enqueue_indirect_dma source(%arg11 : memref<128x128xf32, #tpu.memory_space<vmem>>) target(%dma_start3A_374 : memref<1024x128xf32, #tpu.memory_space<vmem_shared>>) offsets(%arg17 : memref<128xi32, #tpu.memory_space<vmem>>) semaphore(%arg35 : memref<!tpu.dma_semaphore, #tpu.memory_space<semaphore_mem>>) {add = true}
        %get3A = arith.constant 0 : index
        %get3A_375 = tpu.vector_load %arg17[%get3A] {strides = array<i32>} : memref<128xi32, #tpu.memory_space<vmem>>, vector<16xi32>,
        tpu.vector_store_idx %arg24[%get3A_375], %broadcast_in_dim3A_134 {add = true} : memref<1024xf32, #tpu.memory_space<vmem>>[vector<16xi32>], vector<16xf32>,
        %get3A_376 = arith.constant 16 : index
        %get3A_377 = tpu.vector_load %arg17[%get3A_376] {strides = array<i32>} : memref<128xi32, #tpu.memory_space<vmem>>, vector<16xi32>,
        tpu.vector_store_idx %arg24[%get3A_377], %broadcast_in_dim3A_134 {add = true} : memref<1024xf32, #tpu.memory_space<vmem>>[vector<16xi32>], vector<16xf32>,
        %get3A_378 = arith.constant 32 : index
        %get3A_379 = tpu.vector_load %arg17[%get3A_378] {strides = array<i32>} : memref<128xi32, #tpu.memory_space<vmem>>, vector<16xi32>,
        tpu.vector_store_idx %arg24[%get3A_379], %broadcast_in_dim3A_134 {add = true} : memref<1024xf32, #tpu.memory_space<vmem>>[vector<16xi32>], vector<16xf32>,
        %get3A_380 = arith.constant 48 : index
        %get3A_381 = tpu.vector_load %arg17[%get3A_380] {strides = array<i32>} : memref<128xi32, #tpu.memory_space<vmem>>, vector<16xi32>,
        tpu.vector_store_idx %arg24[%get3A_381], %broadcast_in_dim3A_134 {add = true} : memref<1024xf32, #tpu.memory_space<vmem>>[vector<16xi32>], vector<16xf32>,
        %get3A_382 = arith.constant 64 : index
        %get3A_383 = tpu.vector_load %arg17[%get3A_382] {strides = array<i32>} : memref<128xi32, #tpu.memory_space<vmem>>, vector<16xi32>,
        tpu.vector_store_idx %arg24[%get3A_383], %broadcast_in_dim3A_134 {add = true} : memref<1024xf32, #tpu.memory_space<vmem>>[vector<16xi32>], vector<16xf32>,
        %get3A_384 = arith.constant 80 : index
        %get3A_385 = tpu.vector_load %arg17[%get3A_384] {strides = array<i32>} : memref<128xi32, #tpu.memory_space<vmem>>, vector<16xi32>,
        tpu.vector_store_idx %arg24[%get3A_385], %broadcast_in_dim3A_134 {add = true} : memref<1024xf32, #tpu.memory_space<vmem>>[vector<16xi32>], vector<16xf32>,
        %get3A_386 = arith.constant 96 : index
        %get3A_387 = tpu.vector_load %arg17[%get3A_386] {strides = array<i32>} : memref<128xi32, #tpu.memory_space<vmem>>, vector<16xi32>,
        tpu.vector_store_idx %arg24[%get3A_387], %broadcast_in_dim3A_134 {add = true} : memref<1024xf32, #tpu.memory_space<vmem>>[vector<16xi32>], vector<16xf32>,
        %get3A_388 = arith.constant 112 : index
        %get3A_389 = tpu.vector_load %arg17[%get3A_388] {strides = array<i32>} : memref<128xi32, #tpu.memory_space<vmem>>, vector<16xi32>,
        tpu.vector_store_idx %arg24[%get3A_389], %broadcast_in_dim3A_134 {add = true} : memref<1024xf32, #tpu.memory_space<vmem>>[vector<16xi32>], vector<16xf32>,
      } else {
      }
      %mul3A_326 = arith.constant 6 : i32
      %mul3A_327 = arith.muli %scan3A_172, %mul3A_326 : i32
      %add3A_328 = arith.constant 3 : i32
      %add3A_329 = arith.addi %mul3A_327, %add3A_328 : i32
      %mul3A_330 = arith.constant 32 : i32
      %mul3A_331 = arith.muli %add3A_329, %mul3A_330 : i32
      %add3A_332 = arith.addi %add3A, %mul3A_331 : i32
      %lt3A_333 = arith.constant 781 : i32
      %lt3A_334 = arith.cmpi slt, %add3A_332, %lt3A_333 : i32
      %convert_element_type3A_335 = arith.extui %lt3A_334 : i1 to i32
      %cond3A_336 = arith.constant 0 : i32
      %cond3A_337 = arith.cmpi ne, %convert_element_type3A_335, %cond3A_336 : i32
      scf.if %cond3A_337 {
        %mul3A_362 = arith.constant 128 : i32
        %mul3A_363 = arith.muli %add3A_332, %mul3A_362 : i32
        %dma_wait3A_364 = arith.constant 0 : i32
        %dma_wait3A_365 = tpu.memref_slice %arg2[%mul3A_363, %dma_wait3A_364] : memref<100000x128xf32, #tpu.memory_space<hbm>> -> memref<128x128xf32, #tpu.memory_space<hbm>>
        %dma_wait3A_366 = arith.constant 0 : i32
        %dma_wait3A_367 = tpu.memref_slice %arg2[%mul3A_363, %dma_wait3A_366] : memref<100000x128xf32, #tpu.memory_space<hbm>> -> memref<128x128xf32, #tpu.memory_space<hbm>>
        tpu.wait_dma2 semaphore(%arg30 : memref<!tpu.dma_semaphore, #tpu.memory_space<semaphore_mem>>) src(%dma_wait3A_367 : memref<128x128xf32, #tpu.memory_space<hbm>>) dst(%arg12 : memref<128x128xf32, #tpu.memory_space<vmem>>)
        %mul3A_368 = arith.constant 128 : i32
        %mul3A_369 = arith.muli %add3A_332, %mul3A_368 : i32
        %dma_wait3A_370 = tpu.memref_slice %arg3[%mul3A_369] : memref<100000xi32, #tpu.memory_space<hbm>> -> memref<128xi32, #tpu.memory_space<hbm>>
        %dma_wait3A_371 = tpu.memref_slice %arg3[%mul3A_369] : memref<100000xi32, #tpu.memory_space<hbm>> -> memref<128xi32, #tpu.memory_space<hbm>>
        tpu.wait_dma2 semaphore(%arg30 : memref<!tpu.dma_semaphore, #tpu.memory_space<semaphore_mem>>) src(%dma_wait3A_371 : memref<128xi32, #tpu.memory_space<hbm>>) dst(%arg18 : memref<128xi32, #tpu.memory_space<vmem>>)
        %dma_start3A_372 = arith.constant 0 : i32
        %dma_start3A_373 = arith.constant 0 : i32
        %dma_start3A_374 = tpu.memref_slice %arg25[%dma_start3A_372, %dma_start3A_373] : memref<1024x128xf32, #tpu.memory_space<vmem_shared>> -> memref<1024x128xf32, #tpu.memory_space<vmem_shared>>
        tpu.enqueue_indirect_dma source(%arg12 : memref<128x128xf32, #tpu.memory_space<vmem>>) target(%dma_start3A_374 : memref<1024x128xf32, #tpu.memory_space<vmem_shared>>) offsets(%arg18 : memref<128xi32, #tpu.memory_space<vmem>>) semaphore(%arg36 : memref<!tpu.dma_semaphore, #tpu.memory_space<semaphore_mem>>) {add = true}
        %get3A = arith.constant 0 : index
        %get3A_375 = tpu.vector_load %arg18[%get3A] {strides = array<i32>} : memref<128xi32, #tpu.memory_space<vmem>>, vector<16xi32>,
        tpu.vector_store_idx %arg24[%get3A_375], %broadcast_in_dim3A_134 {add = true} : memref<1024xf32, #tpu.memory_space<vmem>>[vector<16xi32>], vector<16xf32>,
        %get3A_376 = arith.constant 16 : index
        %get3A_377 = tpu.vector_load %arg18[%get3A_376] {strides = array<i32>} : memref<128xi32, #tpu.memory_space<vmem>>, vector<16xi32>,
        tpu.vector_store_idx %arg24[%get3A_377], %broadcast_in_dim3A_134 {add = true} : memref<1024xf32, #tpu.memory_space<vmem>>[vector<16xi32>], vector<16xf32>,
        %get3A_378 = arith.constant 32 : index
        %get3A_379 = tpu.vector_load %arg18[%get3A_378] {strides = array<i32>} : memref<128xi32, #tpu.memory_space<vmem>>, vector<16xi32>,
        tpu.vector_store_idx %arg24[%get3A_379], %broadcast_in_dim3A_134 {add = true} : memref<1024xf32, #tpu.memory_space<vmem>>[vector<16xi32>], vector<16xf32>,
        %get3A_380 = arith.constant 48 : index
        %get3A_381 = tpu.vector_load %arg18[%get3A_380] {strides = array<i32>} : memref<128xi32, #tpu.memory_space<vmem>>, vector<16xi32>,
        tpu.vector_store_idx %arg24[%get3A_381], %broadcast_in_dim3A_134 {add = true} : memref<1024xf32, #tpu.memory_space<vmem>>[vector<16xi32>], vector<16xf32>,
        %get3A_382 = arith.constant 64 : index
        %get3A_383 = tpu.vector_load %arg18[%get3A_382] {strides = array<i32>} : memref<128xi32, #tpu.memory_space<vmem>>, vector<16xi32>,
        tpu.vector_store_idx %arg24[%get3A_383], %broadcast_in_dim3A_134 {add = true} : memref<1024xf32, #tpu.memory_space<vmem>>[vector<16xi32>], vector<16xf32>,
        %get3A_384 = arith.constant 80 : index
        %get3A_385 = tpu.vector_load %arg18[%get3A_384] {strides = array<i32>} : memref<128xi32, #tpu.memory_space<vmem>>, vector<16xi32>,
        tpu.vector_store_idx %arg24[%get3A_385], %broadcast_in_dim3A_134 {add = true} : memref<1024xf32, #tpu.memory_space<vmem>>[vector<16xi32>], vector<16xf32>,
        %get3A_386 = arith.constant 96 : index
        %get3A_387 = tpu.vector_load %arg18[%get3A_386] {strides = array<i32>} : memref<128xi32, #tpu.memory_space<vmem>>, vector<16xi32>,
        tpu.vector_store_idx %arg24[%get3A_387], %broadcast_in_dim3A_134 {add = true} : memref<1024xf32, #tpu.memory_space<vmem>>[vector<16xi32>], vector<16xf32>,
        %get3A_388 = arith.constant 112 : index
        %get3A_389 = tpu.vector_load %arg18[%get3A_388] {strides = array<i32>} : memref<128xi32, #tpu.memory_space<vmem>>, vector<16xi32>,
        tpu.vector_store_idx %arg24[%get3A_389], %broadcast_in_dim3A_134 {add = true} : memref<1024xf32, #tpu.memory_space<vmem>>[vector<16xi32>], vector<16xf32>,
      } else {
      }
      %mul3A_338 = arith.constant 6 : i32
      %mul3A_339 = arith.muli %scan3A_172, %mul3A_338 : i32
      %add3A_340 = arith.constant 4 : i32
      %add3A_341 = arith.addi %mul3A_339, %add3A_340 : i32
      %mul3A_342 = arith.constant 32 : i32
      %mul3A_343 = arith.muli %add3A_341, %mul3A_342 : i32
      %add3A_344 = arith.addi %add3A, %mul3A_343 : i32
      %lt3A_345 = arith.constant 781 : i32
      %lt3A_346 = arith.cmpi slt, %add3A_344, %lt3A_345 : i32
      %convert_element_type3A_347 = arith.extui %lt3A_346 : i1 to i32
      %cond3A_348 = arith.constant 0 : i32
      %cond3A_349 = arith.cmpi ne, %convert_element_type3A_347, %cond3A_348 : i32
      scf.if %cond3A_349 {
        %mul3A_362 = arith.constant 128 : i32
        %mul3A_363 = arith.muli %add3A_344, %mul3A_362 : i32
        %dma_wait3A_364 = arith.constant 0 : i32
        %dma_wait3A_365 = tpu.memref_slice %arg2[%mul3A_363, %dma_wait3A_364] : memref<100000x128xf32, #tpu.memory_space<hbm>> -> memref<128x128xf32, #tpu.memory_space<hbm>>
        %dma_wait3A_366 = arith.constant 0 : i32
        %dma_wait3A_367 = tpu.memref_slice %arg2[%mul3A_363, %dma_wait3A_366] : memref<100000x128xf32, #tpu.memory_space<hbm>> -> memref<128x128xf32, #tpu.memory_space<hbm>>
        tpu.wait_dma2 semaphore(%arg31 : memref<!tpu.dma_semaphore, #tpu.memory_space<semaphore_mem>>) src(%dma_wait3A_367 : memref<128x128xf32, #tpu.memory_space<hbm>>) dst(%arg13 : memref<128x128xf32, #tpu.memory_space<vmem>>)
        %mul3A_368 = arith.constant 128 : i32
        %mul3A_369 = arith.muli %add3A_344, %mul3A_368 : i32
        %dma_wait3A_370 = tpu.memref_slice %arg3[%mul3A_369] : memref<100000xi32, #tpu.memory_space<hbm>> -> memref<128xi32, #tpu.memory_space<hbm>>
        %dma_wait3A_371 = tpu.memref_slice %arg3[%mul3A_369] : memref<100000xi32, #tpu.memory_space<hbm>> -> memref<128xi32, #tpu.memory_space<hbm>>
        tpu.wait_dma2 semaphore(%arg31 : memref<!tpu.dma_semaphore, #tpu.memory_space<semaphore_mem>>) src(%dma_wait3A_371 : memref<128xi32, #tpu.memory_space<hbm>>) dst(%arg19 : memref<128xi32, #tpu.memory_space<vmem>>)
        %dma_start3A_372 = arith.constant 0 : i32
        %dma_start3A_373 = arith.constant 0 : i32
        %dma_start3A_374 = tpu.memref_slice %arg25[%dma_start3A_372, %dma_start3A_373] : memref<1024x128xf32, #tpu.memory_space<vmem_shared>> -> memref<1024x128xf32, #tpu.memory_space<vmem_shared>>
        tpu.enqueue_indirect_dma source(%arg13 : memref<128x128xf32, #tpu.memory_space<vmem>>) target(%dma_start3A_374 : memref<1024x128xf32, #tpu.memory_space<vmem_shared>>) offsets(%arg19 : memref<128xi32, #tpu.memory_space<vmem>>) semaphore(%arg37 : memref<!tpu.dma_semaphore, #tpu.memory_space<semaphore_mem>>) {add = true}
        %get3A = arith.constant 0 : index
        %get3A_375 = tpu.vector_load %arg19[%get3A] {strides = array<i32>} : memref<128xi32, #tpu.memory_space<vmem>>, vector<16xi32>,
        tpu.vector_store_idx %arg24[%get3A_375], %broadcast_in_dim3A_134 {add = true} : memref<1024xf32, #tpu.memory_space<vmem>>[vector<16xi32>], vector<16xf32>,
        %get3A_376 = arith.constant 16 : index
        %get3A_377 = tpu.vector_load %arg19[%get3A_376] {strides = array<i32>} : memref<128xi32, #tpu.memory_space<vmem>>, vector<16xi32>,
        tpu.vector_store_idx %arg24[%get3A_377], %broadcast_in_dim3A_134 {add = true} : memref<1024xf32, #tpu.memory_space<vmem>>[vector<16xi32>], vector<16xf32>,
        %get3A_378 = arith.constant 32 : index
        %get3A_379 = tpu.vector_load %arg19[%get3A_378] {strides = array<i32>} : memref<128xi32, #tpu.memory_space<vmem>>, vector<16xi32>,
        tpu.vector_store_idx %arg24[%get3A_379], %broadcast_in_dim3A_134 {add = true} : memref<1024xf32, #tpu.memory_space<vmem>>[vector<16xi32>], vector<16xf32>,
        %get3A_380 = arith.constant 48 : index
        %get3A_381 = tpu.vector_load %arg19[%get3A_380] {strides = array<i32>} : memref<128xi32, #tpu.memory_space<vmem>>, vector<16xi32>,
        tpu.vector_store_idx %arg24[%get3A_381], %broadcast_in_dim3A_134 {add = true} : memref<1024xf32, #tpu.memory_space<vmem>>[vector<16xi32>], vector<16xf32>,
        %get3A_382 = arith.constant 64 : index
        %get3A_383 = tpu.vector_load %arg19[%get3A_382] {strides = array<i32>} : memref<128xi32, #tpu.memory_space<vmem>>, vector<16xi32>,
        tpu.vector_store_idx %arg24[%get3A_383], %broadcast_in_dim3A_134 {add = true} : memref<1024xf32, #tpu.memory_space<vmem>>[vector<16xi32>], vector<16xf32>,
        %get3A_384 = arith.constant 80 : index
        %get3A_385 = tpu.vector_load %arg19[%get3A_384] {strides = array<i32>} : memref<128xi32, #tpu.memory_space<vmem>>, vector<16xi32>,
        tpu.vector_store_idx %arg24[%get3A_385], %broadcast_in_dim3A_134 {add = true} : memref<1024xf32, #tpu.memory_space<vmem>>[vector<16xi32>], vector<16xf32>,
        %get3A_386 = arith.constant 96 : index
        %get3A_387 = tpu.vector_load %arg19[%get3A_386] {strides = array<i32>} : memref<128xi32, #tpu.memory_space<vmem>>, vector<16xi32>,
        tpu.vector_store_idx %arg24[%get3A_387], %broadcast_in_dim3A_134 {add = true} : memref<1024xf32, #tpu.memory_space<vmem>>[vector<16xi32>], vector<16xf32>,
        %get3A_388 = arith.constant 112 : index
        %get3A_389 = tpu.vector_load %arg19[%get3A_388] {strides = array<i32>} : memref<128xi32, #tpu.memory_space<vmem>>, vector<16xi32>,
        tpu.vector_store_idx %arg24[%get3A_389], %broadcast_in_dim3A_134 {add = true} : memref<1024xf32, #tpu.memory_space<vmem>>[vector<16xi32>], vector<16xf32>,
      } else {
      }
      %mul3A_350 = arith.constant 6 : i32
      %mul3A_351 = arith.muli %scan3A_172, %mul3A_350 : i32
      %add3A_352 = arith.constant 5 : i32
      %add3A_353 = arith.addi %mul3A_351, %add3A_352 : i32
      %mul3A_354 = arith.constant 32 : i32
      %mul3A_355 = arith.muli %add3A_353, %mul3A_354 : i32
      %add3A_356 = arith.addi %add3A, %mul3A_355 : i32
      %lt3A_357 = arith.constant 781 : i32
      %lt3A_358 = arith.cmpi slt, %add3A_356, %lt3A_357 : i32
      %convert_element_type3A_359 = arith.extui %lt3A_358 : i1 to i32
      %cond3A_360 = arith.constant 0 : i32
      %cond3A_361 = arith.cmpi ne, %convert_element_type3A_359, %cond3A_360 : i32
      scf.if %cond3A_361 {
        %mul3A_362 = arith.constant 128 : i32
        %mul3A_363 = arith.muli %add3A_356, %mul3A_362 : i32
        %dma_wait3A_364 = arith.constant 0 : i32
        %dma_wait3A_365 = tpu.memref_slice %arg2[%mul3A_363, %dma_wait3A_364] : memref<100000x128xf32, #tpu.memory_space<hbm>> -> memref<128x128xf32, #tpu.memory_space<hbm>>
        %dma_wait3A_366 = arith.constant 0 : i32
        %dma_wait3A_367 = tpu.memref_slice %arg2[%mul3A_363, %dma_wait3A_366] : memref<100000x128xf32, #tpu.memory_space<hbm>> -> memref<128x128xf32, #tpu.memory_space<hbm>>
        tpu.wait_dma2 semaphore(%arg32 : memref<!tpu.dma_semaphore, #tpu.memory_space<semaphore_mem>>) src(%dma_wait3A_367 : memref<128x128xf32, #tpu.memory_space<hbm>>) dst(%arg14 : memref<128x128xf32, #tpu.memory_space<vmem>>)
        %mul3A_368 = arith.constant 128 : i32
        %mul3A_369 = arith.muli %add3A_356, %mul3A_368 : i32
        %dma_wait3A_370 = tpu.memref_slice %arg3[%mul3A_369] : memref<100000xi32, #tpu.memory_space<hbm>> -> memref<128xi32, #tpu.memory_space<hbm>>
        %dma_wait3A_371 = tpu.memref_slice %arg3[%mul3A_369] : memref<100000xi32, #tpu.memory_space<hbm>> -> memref<128xi32, #tpu.memory_space<hbm>>
        tpu.wait_dma2 semaphore(%arg32 : memref<!tpu.dma_semaphore, #tpu.memory_space<semaphore_mem>>) src(%dma_wait3A_371 : memref<128xi32, #tpu.memory_space<hbm>>) dst(%arg20 : memref<128xi32, #tpu.memory_space<vmem>>)
        %dma_start3A_372 = arith.constant 0 : i32
        %dma_start3A_373 = arith.constant 0 : i32
        %dma_start3A_374 = tpu.memref_slice %arg25[%dma_start3A_372, %dma_start3A_373] : memref<1024x128xf32, #tpu.memory_space<vmem_shared>> -> memref<1024x128xf32, #tpu.memory_space<vmem_shared>>
        tpu.enqueue_indirect_dma source(%arg14 : memref<128x128xf32, #tpu.memory_space<vmem>>) target(%dma_start3A_374 : memref<1024x128xf32, #tpu.memory_space<vmem_shared>>) offsets(%arg20 : memref<128xi32, #tpu.memory_space<vmem>>) semaphore(%arg38 : memref<!tpu.dma_semaphore, #tpu.memory_space<semaphore_mem>>) {add = true}
        %get3A = arith.constant 0 : index
        %get3A_375 = tpu.vector_load %arg20[%get3A] {strides = array<i32>} : memref<128xi32, #tpu.memory_space<vmem>>, vector<16xi32>,
        tpu.vector_store_idx %arg24[%get3A_375], %broadcast_in_dim3A_134 {add = true} : memref<1024xf32, #tpu.memory_space<vmem>>[vector<16xi32>], vector<16xf32>,
        %get3A_376 = arith.constant 16 : index
        %get3A_377 = tpu.vector_load %arg20[%get3A_376] {strides = array<i32>} : memref<128xi32, #tpu.memory_space<vmem>>, vector<16xi32>,
        tpu.vector_store_idx %arg24[%get3A_377], %broadcast_in_dim3A_134 {add = true} : memref<1024xf32, #tpu.memory_space<vmem>>[vector<16xi32>], vector<16xf32>,
        %get3A_378 = arith.constant 32 : index
        %get3A_379 = tpu.vector_load %arg20[%get3A_378] {strides = array<i32>} : memref<128xi32, #tpu.memory_space<vmem>>, vector<16xi32>,
        tpu.vector_store_idx %arg24[%get3A_379], %broadcast_in_dim3A_134 {add = true} : memref<1024xf32, #tpu.memory_space<vmem>>[vector<16xi32>], vector<16xf32>,
        %get3A_380 = arith.constant 48 : index
        %get3A_381 = tpu.vector_load %arg20[%get3A_380] {strides = array<i32>} : memref<128xi32, #tpu.memory_space<vmem>>, vector<16xi32>,
        tpu.vector_store_idx %arg24[%get3A_381], %broadcast_in_dim3A_134 {add = true} : memref<1024xf32, #tpu.memory_space<vmem>>[vector<16xi32>], vector<16xf32>,
        %get3A_382 = arith.constant 64 : index
        %get3A_383 = tpu.vector_load %arg20[%get3A_382] {strides = array<i32>} : memref<128xi32, #tpu.memory_space<vmem>>, vector<16xi32>,
        tpu.vector_store_idx %arg24[%get3A_383], %broadcast_in_dim3A_134 {add = true} : memref<1024xf32, #tpu.memory_space<vmem>>[vector<16xi32>], vector<16xf32>,
        %get3A_384 = arith.constant 80 : index
        %get3A_385 = tpu.vector_load %arg20[%get3A_384] {strides = array<i32>} : memref<128xi32, #tpu.memory_space<vmem>>, vector<16xi32>,
        tpu.vector_store_idx %arg24[%get3A_385], %broadcast_in_dim3A_134 {add = true} : memref<1024xf32, #tpu.memory_space<vmem>>[vector<16xi32>], vector<16xf32>,
        %get3A_386 = arith.constant 96 : index
        %get3A_387 = tpu.vector_load %arg20[%get3A_386] {strides = array<i32>} : memref<128xi32, #tpu.memory_space<vmem>>, vector<16xi32>,
        tpu.vector_store_idx %arg24[%get3A_387], %broadcast_in_dim3A_134 {add = true} : memref<1024xf32, #tpu.memory_space<vmem>>[vector<16xi32>], vector<16xf32>,
        %get3A_388 = arith.constant 112 : index
        %get3A_389 = tpu.vector_load %arg20[%get3A_388] {strides = array<i32>} : memref<128xi32, #tpu.memory_space<vmem>>, vector<16xi32>,
        tpu.vector_store_idx %arg24[%get3A_389], %broadcast_in_dim3A_134 {add = true} : memref<1024xf32, #tpu.memory_space<vmem>>[vector<16xi32>], vector<16xf32>,
      } else {
      }
    }
    %scan3A_139 = arith.constant 5 : i32
    %mul3A_140 = arith.constant 16 : i32
    %mul3A_141 = arith.muli %add3A, %mul3A_140 : i32
    "tpu.region"() ({
      %run_scoped3A = tpu.sem_alloc : memref<!tpu.dma_semaphore, #tpu.memory_space<semaphore_mem>>
      %dma_start3A_172 = tpu.memref_slice %arg4[%mul3A_141] : memref<512xi32, #tpu.memory_space<hbm>> -> memref<16xi32, #tpu.memory_space<hbm>>
      %dma_start3A_173 = tpu.memref_slice %arg4[%mul3A_141] : memref<512xi32, #tpu.memory_space<hbm>> -> memref<16xi32, #tpu.memory_space<hbm>>
      tpu.enqueue_dma source(%dma_start3A_173 : memref<16xi32, #tpu.memory_space<hbm>>) target(%arg22 : memref<16xi32, #tpu.memory_space<vmem>>) target_semaphore(%run_scoped3A : memref<!tpu.dma_semaphore, #tpu.memory_space<semaphore_mem>>)
      %dma_wait3A_174 = tpu.memref_slice %arg4[%mul3A_141] : memref<512xi32, #tpu.memory_space<hbm>> -> memref<16xi32, #tpu.memory_space<hbm>>
      %dma_wait3A_175 = tpu.memref_slice %arg4[%mul3A_141] : memref<512xi32, #tpu.memory_space<hbm>> -> memref<16xi32, #tpu.memory_space<hbm>>
      tpu.wait_dma2 semaphore(%run_scoped3A : memref<!tpu.dma_semaphore, #tpu.memory_space<semaphore_mem>>) src(%dma_wait3A_175 : memref<16xi32, #tpu.memory_space<hbm>>) dst(%arg22 : memref<16xi32, #tpu.memory_space<vmem>>)
      tpu.yield
    }) : () -> ()
    %dma_start3A = arith.constant 0 : i32
    %dma_start3A_142 = tpu.memref_slice %arg3[%dma_start3A] : memref<100000xi32, #tpu.memory_space<hbm>> -> memref<100000xi32, #tpu.memory_space<hbm>>
    tpu.enqueue_indirect_dma source(%dma_start3A_142 : memref<100000xi32, #tpu.memory_space<hbm>>) target(%arg23 : memref<16xi32, #tpu.memory_space<vmem>>) offsets(%arg22 : memref<16xi32, #tpu.memory_space<vmem>>) semaphore(%arg26 : memref<!tpu.dma_semaphore, #tpu.memory_space<semaphore_mem>>)
    %dma_wait3A = arith.constant 0 : i32
    %dma_wait3A_143 = tpu.memref_slice %arg3[%dma_wait3A] : memref<100000xi32, #tpu.memory_space<hbm>> -> memref<100000xi32, #tpu.memory_space<hbm>>
    tpu.wait_indirect_dma semaphore(%arg26 : memref<!tpu.dma_semaphore, #tpu.memory_space<semaphore_mem>>) src(%dma_wait3A_143 : memref<100000xi32, #tpu.memory_space<hbm>>) dst(%arg23 : memref<16xi32, #tpu.memory_space<vmem>>)
    "tpu.region"() ({
      %run_scoped3A = tpu.sem_alloc : memref<!tpu.dma_semaphore, #tpu.memory_space<semaphore_mem>>
      %dma_start3A_172 = arith.constant 0 : i32
      %dma_start3A_173 = tpu.memref_slice %arg8[%add3A, %dma_start3A_172] : memref<32x16xi32, #tpu.memory_space<hbm>> -> memref<1x16xi32, #tpu.memory_space<hbm>>
      %dma_start3A_174 = tpu.memref_squeeze %dma_start3A_173 : memref<1x16xi32, #tpu.memory_space<hbm>> -> memref<16xi32, #tpu.memory_space<hbm>>
      %dma_start3A_175 = arith.constant 0 : i32
      %dma_start3A_176 = tpu.memref_slice %arg8[%add3A, %dma_start3A_175] : memref<32x16xi32, #tpu.memory_space<hbm>> -> memref<1x16xi32, #tpu.memory_space<hbm>>
      %dma_start3A_177 = tpu.memref_squeeze %dma_start3A_176 : memref<1x16xi32, #tpu.memory_space<hbm>> -> memref<16xi32, #tpu.memory_space<hbm>>
      tpu.enqueue_dma source(%arg23 : memref<16xi32, #tpu.memory_space<vmem>>) target(%dma_start3A_177 : memref<16xi32, #tpu.memory_space<hbm>>) target_semaphore(%run_scoped3A : memref<!tpu.dma_semaphore, #tpu.memory_space<semaphore_mem>>)
      %dma_wait3A_178 = arith.constant 0 : i32
      %dma_wait3A_179 = tpu.memref_slice %arg8[%add3A, %dma_wait3A_178] : memref<32x16xi32, #tpu.memory_space<hbm>> -> memref<1x16xi32, #tpu.memory_space<hbm>>
      %dma_wait3A_180 = tpu.memref_squeeze %dma_wait3A_179 : memref<1x16xi32, #tpu.memory_space<hbm>> -> memref<16xi32, #tpu.memory_space<hbm>>
      %dma_wait3A_181 = arith.constant 0 : i32
      %dma_wait3A_182 = tpu.memref_slice %arg8[%add3A, %dma_wait3A_181] : memref<32x16xi32, #tpu.memory_space<hbm>> -> memref<1x16xi32, #tpu.memory_space<hbm>>
      %dma_wait3A_183 = tpu.memref_squeeze %dma_wait3A_182 : memref<1x16xi32, #tpu.memory_space<hbm>> -> memref<16xi32, #tpu.memory_space<hbm>>
      tpu.wait_dma2 semaphore(%run_scoped3A : memref<!tpu.dma_semaphore, #tpu.memory_space<semaphore_mem>>) src(%arg23 : memref<16xi32, #tpu.memory_space<vmem>>) dst(%dma_wait3A_183 : memref<16xi32, #tpu.memory_space<hbm>>)
      tpu.yield
    }) : () -> ()
    %dma_wait3A_144 = arith.constant 0 : i32
    %dma_wait3A_145 = arith.constant 0 : i32
    %dma_wait3A_146 = tpu.memref_slice %arg25[%dma_wait3A_144, %dma_wait3A_145] : memref<1024x128xf32, #tpu.memory_space<vmem_shared>> -> memref<1024x128xf32, #tpu.memory_space<vmem_shared>>
    tpu.wait_indirect_dma semaphore(%arg33 : memref<!tpu.dma_semaphore, #tpu.memory_space<semaphore_mem>>) src(%arg9 : memref<128x128xf32, #tpu.memory_space<vmem>>) dst(%dma_wait3A_146 : memref<1024x128xf32, #tpu.memory_space<vmem_shared>>)
    %dma_wait3A_147 = arith.constant 0 : i32
    %dma_wait3A_148 = arith.constant 0 : i32
    %dma_wait3A_149 = tpu.memref_slice %arg25[%dma_wait3A_147, %dma_wait3A_148] : memref<1024x128xf32, #tpu.memory_space<vmem_shared>> -> memref<1024x128xf32, #tpu.memory_space<vmem_shared>>
    tpu.wait_indirect_dma semaphore(%arg34 : memref<!tpu.dma_semaphore, #tpu.memory_space<semaphore_mem>>) src(%arg10 : memref<128x128xf32, #tpu.memory_space<vmem>>) dst(%dma_wait3A_149 : memref<1024x128xf32, #tpu.memory_space<vmem_shared>>)
    %dma_wait3A_150 = arith.constant 0 : i32
    %dma_wait3A_151 = arith.constant 0 : i32
    %dma_wait3A_152 = tpu.memref_slice %arg25[%dma_wait3A_150, %dma_wait3A_151] : memref<1024x128xf32, #tpu.memory_space<vmem_shared>> -> memref<1024x128xf32, #tpu.memory_space<vmem_shared>>
    tpu.wait_indirect_dma semaphore(%arg35 : memref<!tpu.dma_semaphore, #tpu.memory_space<semaphore_mem>>) src(%arg11 : memref<128x128xf32, #tpu.memory_space<vmem>>) dst(%dma_wait3A_152 : memref<1024x128xf32, #tpu.memory_space<vmem_shared>>)
    %dma_wait3A_153 = arith.constant 0 : i32
    %dma_wait3A_154 = arith.constant 0 : i32
    %dma_wait3A_155 = tpu.memref_slice %arg25[%dma_wait3A_153, %dma_wait3A_154] : memref<1024x128xf32, #tpu.memory_space<vmem_shared>> -> memref<1024x128xf32, #tpu.memory_space<vmem_shared>>
    tpu.wait_indirect_dma semaphore(%arg36 : memref<!tpu.dma_semaphore, #tpu.memory_space<semaphore_mem>>) src(%arg12 : memref<128x128xf32, #tpu.memory_space<vmem>>) dst(%dma_wait3A_155 : memref<1024x128xf32, #tpu.memory_space<vmem_shared>>)
    %dma_wait3A_156 = arith.constant 0 : i32
    %dma_wait3A_157 = arith.constant 0 : i32
    %dma_wait3A_158 = tpu.memref_slice %arg25[%dma_wait3A_156, %dma_wait3A_157] : memref<1024x128xf32, #tpu.memory_space<vmem_shared>> -> memref<1024x128xf32, #tpu.memory_space<vmem_shared>>
    tpu.wait_indirect_dma semaphore(%arg37 : memref<!tpu.dma_semaphore, #tpu.memory_space<semaphore_mem>>) src(%arg13 : memref<128x128xf32, #tpu.memory_space<vmem>>) dst(%dma_wait3A_158 : memref<1024x128xf32, #tpu.memory_space<vmem_shared>>)
    %dma_wait3A_159 = arith.constant 0 : i32
    %dma_wait3A_160 = arith.constant 0 : i32
    %dma_wait3A_161 = tpu.memref_slice %arg25[%dma_wait3A_159, %dma_wait3A_160] : memref<1024x128xf32, #tpu.memory_space<vmem_shared>> -> memref<1024x128xf32, #tpu.memory_space<vmem_shared>>
    tpu.wait_indirect_dma semaphore(%arg38 : memref<!tpu.dma_semaphore, #tpu.memory_space<semaphore_mem>>) src(%arg14 : memref<128x128xf32, #tpu.memory_space<vmem>>) dst(%dma_wait3A_161 : memref<1024x128xf32, #tpu.memory_space<vmem_shared>>)
    %eq3A = arith.constant 31 : i32
    %eq3A_162 = arith.cmpi eq, %add3A, %eq3A : i32
    %convert_element_type3A = arith.extui %eq3A_162 : i1 to i32
    %cond3A = arith.constant 0 : i32
    %cond3A_163 = arith.cmpi ne, %convert_element_type3A, %cond3A : i32
    scf.if %cond3A_163 {
      "tpu.region"() ({
        %run_scoped3A = tpu.sem_alloc : memref<!tpu.dma_semaphore, #tpu.memory_space<semaphore_mem>>
        %dma_start3A_175 = arith.constant 0 : i32
        %dma_start3A_176 = arith.constant 0 : i32
        %dma_start3A_177 = tpu.memref_slice %arg9[%dma_start3A_175, %dma_start3A_176] : memref<128x128xf32, #tpu.memory_space<vmem>> -> memref<32x128xf32, #tpu.memory_space<vmem>>
        %dma_start3A_178 = arith.constant 99968 : i32
        %dma_start3A_179 = arith.constant 0 : i32
        %dma_start3A_180 = tpu.memref_slice %arg2[%dma_start3A_178, %dma_start3A_179] : memref<100000x128xf32, #tpu.memory_space<hbm>> -> memref<32x128xf32, #tpu.memory_space<hbm>>
        %dma_start3A_181 = arith.constant 0 : i32
        %dma_start3A_182 = arith.constant 0 : i32
        %dma_start3A_183 = tpu.memref_slice %arg9[%dma_start3A_181, %dma_start3A_182] : memref<128x128xf32, #tpu.memory_space<vmem>> -> memref<32x128xf32, #tpu.memory_space<vmem>>
        %dma_start3A_184 = arith.constant 99968 : i32
        %dma_start3A_185 = arith.constant 0 : i32
        %dma_start3A_186 = tpu.memref_slice %arg2[%dma_start3A_184, %dma_start3A_185] : memref<100000x128xf32, #tpu.memory_space<hbm>> -> memref<32x128xf32, #tpu.memory_space<hbm>>
        tpu.enqueue_dma source(%dma_start3A_186 : memref<32x128xf32, #tpu.memory_space<hbm>>) target(%dma_start3A_183 : memref<32x128xf32, #tpu.memory_space<vmem>>) target_semaphore(%run_scoped3A : memref<!tpu.dma_semaphore, #tpu.memory_space<semaphore_mem>>)
        %dma_wait3A_187 = arith.constant 0 : i32
        %dma_wait3A_188 = arith.constant 0 : i32
        %dma_wait3A_189 = tpu.memref_slice %arg9[%dma_wait3A_187, %dma_wait3A_188] : memref<128x128xf32, #tpu.memory_space<vmem>> -> memref<32x128xf32, #tpu.memory_space<vmem>>
        %dma_wait3A_190 = arith.constant 99968 : i32
        %dma_wait3A_191 = arith.constant 0 : i32
        %dma_wait3A_192 = tpu.memref_slice %arg2[%dma_wait3A_190, %dma_wait3A_191] : memref<100000x128xf32, #tpu.memory_space<hbm>> -> memref<32x128xf32, #tpu.memory_space<hbm>>
        %dma_wait3A_193 = arith.constant 0 : i32
        %dma_wait3A_194 = arith.constant 0 : i32
        %dma_wait3A_195 = tpu.memref_slice %arg9[%dma_wait3A_193, %dma_wait3A_194] : memref<128x128xf32, #tpu.memory_space<vmem>> -> memref<32x128xf32, #tpu.memory_space<vmem>>
        %dma_wait3A_196 = arith.constant 99968 : i32
        %dma_wait3A_197 = arith.constant 0 : i32
        %dma_wait3A_198 = tpu.memref_slice %arg2[%dma_wait3A_196, %dma_wait3A_197] : memref<100000x128xf32, #tpu.memory_space<hbm>> -> memref<32x128xf32, #tpu.memory_space<hbm>>
        tpu.wait_dma2 semaphore(%run_scoped3A : memref<!tpu.dma_semaphore, #tpu.memory_space<semaphore_mem>>) src(%dma_wait3A_198 : memref<32x128xf32, #tpu.memory_space<hbm>>) dst(%dma_wait3A_195 : memref<32x128xf32, #tpu.memory_space<vmem>>)
        tpu.yield
      }) : () -> ()
      "tpu.region"() ({
        %run_scoped3A = tpu.sem_alloc : memref<!tpu.dma_semaphore, #tpu.memory_space<semaphore_mem>>
        %dma_start3A_175 = arith.constant 99968 : i32
        %dma_start3A_176 = tpu.memref_slice %arg3[%dma_start3A_175] : memref<100000xi32, #tpu.memory_space<hbm>> -> memref<32xi32, #tpu.memory_space<hbm>>
        %dma_start3A_177 = arith.constant 99968 : i32
        %dma_start3A_178 = tpu.memref_slice %arg3[%dma_start3A_177] : memref<100000xi32, #tpu.memory_space<hbm>> -> memref<32xi32, #tpu.memory_space<hbm>>
        tpu.enqueue_dma source(%dma_start3A_178 : memref<32xi32, #tpu.memory_space<hbm>>) target(%arg21 : memref<32xi32, #tpu.memory_space<vmem>>) target_semaphore(%run_scoped3A : memref<!tpu.dma_semaphore, #tpu.memory_space<semaphore_mem>>)
        %dma_wait3A_179 = arith.constant 99968 : i32
        %dma_wait3A_180 = tpu.memref_slice %arg3[%dma_wait3A_179] : memref<100000xi32, #tpu.memory_space<hbm>> -> memref<32xi32, #tpu.memory_space<hbm>>
        %dma_wait3A_181 = arith.constant 99968 : i32
        %dma_wait3A_182 = tpu.memref_slice %arg3[%dma_wait3A_181] : memref<100000xi32, #tpu.memory_space<hbm>> -> memref<32xi32, #tpu.memory_space<hbm>>
        tpu.wait_dma2 semaphore(%run_scoped3A : memref<!tpu.dma_semaphore, #tpu.memory_space<semaphore_mem>>) src(%dma_wait3A_182 : memref<32xi32, #tpu.memory_space<hbm>>) dst(%arg21 : memref<32xi32, #tpu.memory_space<vmem>>)
        tpu.yield
      }) : () -> ()
      "tpu.region"() ({
        %run_scoped3A = tpu.sem_alloc : memref<!tpu.dma_semaphore, #tpu.memory_space<semaphore_mem>>
        %dma_start3A_175 = arith.constant 0 : i32
        %dma_start3A_176 = arith.constant 0 : i32
        %dma_start3A_177 = tpu.memref_slice %arg9[%dma_start3A_175, %dma_start3A_176] : memref<128x128xf32, #tpu.memory_space<vmem>> -> memref<32x128xf32, #tpu.memory_space<vmem>>
        %dma_start3A_178 = arith.constant 0 : i32
        %dma_start3A_179 = arith.constant 0 : i32
        %dma_start3A_180 = tpu.memref_slice %arg25[%dma_start3A_178, %dma_start3A_179] : memref<1024x128xf32, #tpu.memory_space<vmem_shared>> -> memref<1024x128xf32, #tpu.memory_space<vmem_shared>>
        tpu.enqueue_indirect_dma source(%dma_start3A_177 : memref<32x128xf32, #tpu.memory_space<vmem>>) target(%dma_start3A_180 : memref<1024x128xf32, #tpu.memory_space<vmem_shared>>) offsets(%arg21 : memref<32xi32, #tpu.memory_space<vmem>>) semaphore(%run_scoped3A : memref<!tpu.dma_semaphore, #tpu.memory_space<semaphore_mem>>) {add = true}
        %dma_wait3A_181 = arith.constant 0 : i32
        %dma_wait3A_182 = arith.constant 0 : i32
        %dma_wait3A_183 = tpu.memref_slice %arg9[%dma_wait3A_181, %dma_wait3A_182] : memref<128x128xf32, #tpu.memory_space<vmem>> -> memref<32x128xf32, #tpu.memory_space<vmem>>
        %dma_wait3A_184 = arith.constant 0 : i32
        %dma_wait3A_185 = arith.constant 0 : i32
        %dma_wait3A_186 = tpu.memref_slice %arg25[%dma_wait3A_184, %dma_wait3A_185] : memref<1024x128xf32, #tpu.memory_space<vmem_shared>> -> memref<1024x128xf32, #tpu.memory_space<vmem_shared>>
        tpu.wait_indirect_dma semaphore(%run_scoped3A : memref<!tpu.dma_semaphore, #tpu.memory_space<semaphore_mem>>) src(%dma_wait3A_183 : memref<32x128xf32, #tpu.memory_space<vmem>>) dst(%dma_wait3A_186 : memref<1024x128xf32, #tpu.memory_space<vmem_shared>>)
        tpu.yield
      }) : () -> ()
      %get3A = arith.constant 0 : index
      %get3A_172 = tpu.vector_load %arg21[%get3A] {strides = array<i32>} : memref<32xi32, #tpu.memory_space<vmem>>, vector<16xi32>,
      tpu.vector_store_idx %arg24[%get3A_172], %broadcast_in_dim3A_134 {add = true} : memref<1024xf32, #tpu.memory_space<vmem>>[vector<16xi32>], vector<16xf32>,
      %get3A_173 = arith.constant 16 : index
      %get3A_174 = tpu.vector_load %arg21[%get3A_173] {strides = array<i32>} : memref<32xi32, #tpu.memory_space<vmem>>, vector<16xi32>,
      tpu.vector_store_idx %arg24[%get3A_174], %broadcast_in_dim3A_134 {add = true} : memref<1024xf32, #tpu.memory_space<vmem>>[vector<16xi32>], vector<16xf32>,
    } else {
    }
    %barrier3A_164 = arith.constant 0 : index
    tpu.barrier barrier_id(%barrier3A_164)
    %mul3A_165 = arith.constant 1024 : i32
    %mul3A_166 = arith.muli %arg0, %mul3A_165 : i32
    %mul3A_167 = arith.constant 64 : i32
    %mul3A_168 = arith.muli %arg1, %mul3A_167 : i32
    %add3A_169 = arith.addi %mul3A_166, %mul3A_168 : i32
    %mul3A_170 = arith.constant 64 : i32
    %mul3A_171 = arith.muli %arg1, %mul3A_170 : i32
    "tpu.region"() ({
      %run_scoped3A = tpu.sem_alloc : memref<!tpu.dma_semaphore, #tpu.memory_space<semaphore_mem>>
      %dma_start3A_172 = arith.constant 0 : i32
      %dma_start3A_173 = tpu.memref_slice %arg6[%add3A_169, %dma_start3A_172] : memref<2048x128xf32, #tpu.memory_space<hbm>> -> memref<64x128xf32, #tpu.memory_space<hbm>>
      %dma_start3A_174 = arith.constant 0 : i32
      %dma_start3A_175 = tpu.memref_slice %arg25[%mul3A_171, %dma_start3A_174] : memref<1024x128xf32, #tpu.memory_space<vmem_shared>> -> memref<64x128xf32, #tpu.memory_space<vmem_shared>>
      tpu.enqueue_dma source(%dma_start3A_175 : memref<64x128xf32, #tpu.memory_space<vmem_shared>>) target(%dma_start3A_173 : memref<64x128xf32, #tpu.memory_space<hbm>>) target_semaphore(%run_scoped3A : memref<!tpu.dma_semaphore, #tpu.memory_space<semaphore_mem>>)
      %dma_wait3A_176 = arith.constant 0 : i32
      %dma_wait3A_177 = tpu.memref_slice %arg6[%add3A_169, %dma_wait3A_176] : memref<2048x128xf32, #tpu.memory_space<hbm>> -> memref<64x128xf32, #tpu.memory_space<hbm>>
      %dma_wait3A_178 = arith.constant 0 : i32
      %dma_wait3A_179 = tpu.memref_slice %arg25[%mul3A_171, %dma_wait3A_178] : memref<1024x128xf32, #tpu.memory_space<vmem_shared>> -> memref<64x128xf32, #tpu.memory_space<vmem_shared>>
      tpu.wait_dma2 semaphore(%run_scoped3A : memref<!tpu.dma_semaphore, #tpu.memory_space<semaphore_mem>>) src(%dma_wait3A_179 : memref<64x128xf32, #tpu.memory_space<vmem_shared>>) dst(%dma_wait3A_177 : memref<64x128xf32, #tpu.memory_space<hbm>>)
      tpu.yield
    }) : () -> ()
    "tpu.region"() ({
      %run_scoped3A = tpu.sem_alloc : memref<!tpu.dma_semaphore, #tpu.memory_space<semaphore_mem>>
      %dma_start3A_172 = arith.constant 0 : i32
      %dma_start3A_173 = tpu.memref_slice %arg7[%add3A, %dma_start3A_172] : memref<32x1024xf32, #tpu.memory_space<hbm>> -> memref<1x1024xf32, #tpu.memory_space<hbm>>
      %dma_start3A_174 = tpu.memref_squeeze %dma_start3A_173 : memref<1x1024xf32, #tpu.memory_space<hbm>> -> memref<1024xf32, #tpu.memory_space<hbm>>
      %dma_start3A_175 = arith.constant 0 : i32
      %dma_start3A_176 = tpu.memref_slice %arg7[%add3A, %dma_start3A_175] : memref<32x1024xf32, #tpu.memory_space<hbm>> -> memref<1x1024xf32, #tpu.memory_space<hbm>>
      %dma_start3A_177 = tpu.memref_squeeze %dma_start3A_176 : memref<1x1024xf32, #tpu.memory_space<hbm>> -> memref<1024xf32, #tpu.memory_space<hbm>>
      tpu.enqueue_dma source(%arg24 : memref<1024xf32, #tpu.memory_space<vmem>>) target(%dma_start3A_177 : memref<1024xf32, #tpu.memory_space<hbm>>) target_semaphore(%run_scoped3A : memref<!tpu.dma_semaphore, #tpu.memory_space<semaphore_mem>>)
      %dma_wait3A_178 = arith.constant 0 : i32
      %dma_wait3A_179 = tpu.memref_slice %arg7[%add3A, %dma_wait3A_178] : memref<32x1024xf32, #tpu.memory_space<hbm>> -> memref<1x1024xf32, #tpu.memory_space<hbm>>
      %dma_wait3A_180 = tpu.memref_squeeze %dma_wait3A_179 : memref<1x1024xf32, #tpu.memory_space<hbm>> -> memref<1024xf32, #tpu.memory_space<hbm>>
      %dma_wait3A_181 = arith.constant 0 : i32
      %dma_wait3A_182 = tpu.memref_slice %arg7[%add3A, %dma_wait3A_181] : memref<32x1024xf32, #tpu.memory_space<hbm>> -> memref<1x1024xf32, #tpu.memory_space<hbm>>
      %dma_wait3A_183 = tpu.memref_squeeze %dma_wait3A_182 : memref<1x1024xf32, #tpu.memory_space<hbm>> -> memref<1024xf32, #tpu.memory_space<hbm>>
      tpu.wait_dma2 semaphore(%run_scoped3A : memref<!tpu.dma_semaphore, #tpu.memory_space<semaphore_mem>>) src(%arg24 : memref<1024xf32, #tpu.memory_space<vmem>>) dst(%dma_wait3A_183 : memref<1024xf32, #tpu.memory_space<hbm>>)
      tpu.yield
    }) : () -> ()
    return
  }
}

module attributes {stable_mosaic.version = 14 : i64} {
  func.func @_tc_body(%arg0: memref<512x128xf32, #tpu.memory_space<vmem>>, %arg1: memref<2048x128xf32, #tpu.memory_space<vmem>>, %arg2: memref<32x1024xf32, #tpu.memory_space<vmem>>, %arg3: memref<32x16xi32, #tpu.memory_space<vmem>>, %arg4: memref<1x1xf32, #tpu.memory_space<smem>>) attributes {dimension_semantics = [], scalar_prefetch = 0 : i64, scratch_operands = 0 : i64, tpu.core_type = #tpu.core_type<tc>} {
    %get3A = arith.constant 0 : index
    %get3A_0 = arith.constant 0 : index
    %get3A_1 = vector.load %arg0[%get3A, %get3A_0] : memref<512x128xf32, #tpu.memory_space<vmem>>, vector<512x128xf32>
    %mul3A = arith.mulf %get3A_1, %get3A_1 : vector<512x128xf32>
    %reduce_sum3A = arith.constant dense<0.000000e+00> : vector<512xf32>
    %reduce_sum3A_2 = vector.multi_reduction <add>, %mul3A, %reduce_sum3A [1] : vector<512x128xf32> to vector<512xf32>
    %broadcast_in_dim3A = vector.shape_cast %reduce_sum3A_2 : vector<512xf32> to vector<512x1xf32>
    %sqrt3A = math.sqrt %broadcast_in_dim3A : vector<512x1xf32>
    %max3A = arith.constant 9.99999996E-13 : f32
    %max3A_3 = vector.broadcast %max3A : f32 to vector<512x1xf32>
    %max3A_4 = arith.maximumf %sqrt3A, %max3A_3 : vector<512x1xf32>
    %div3A = vector.broadcast %max3A_4 : vector<512x1xf32> to vector<512x128xf32>
    %div3A_5 = arith.divf %get3A_1, %div3A : vector<512x128xf32>
    %get3A_6 = arith.constant 0 : index
    %get3A_7 = arith.constant 0 : index
    %get3A_8 = vector.load %arg1[%get3A_6, %get3A_7] : memref<2048x128xf32, #tpu.memory_space<vmem>>, vector<1024x128xf32>
    %get3A_9 = arith.constant 1024 : index
    %get3A_10 = arith.constant 0 : index
    %get3A_11 = vector.load %arg1[%get3A_9, %get3A_10] : memref<2048x128xf32, #tpu.memory_space<vmem>>, vector<1024x128xf32>
    %add3A = arith.addf %get3A_8, %get3A_11 : vector<1024x128xf32>
    %dot_general3A = arith.constant dense<0.000000e+00> : vector<512x1024xf32>
    %dot_general3A_12 = tpu.matmul %div3A_5, %add3A, %dot_general3A {dimension_numbers = #tpu.dot_dimension_numbers<[1], [1], [0], [0], [0, 0, 1, 0], [], []>, precision = #tpu.contract_precision<fp32>, transpose_lhs_hint = false} : vector<512x128xf32>, vector<1024x128xf32>, vector<512x1024xf32> -> vector<512x1024xf32>
    %mul3A_13 = arith.constant 2.000000e+01 : f32
    %mul3A_14 = vector.broadcast %mul3A_13 : f32 to vector<512x1024xf32>
    %mul3A_15 = arith.mulf %dot_general3A_12, %mul3A_14 : vector<512x1024xf32>
    %broadcast_in_dim3A_16 = arith.constant 1.000000e+00 : f32
    %broadcast_in_dim3A_17 = vector.broadcast %broadcast_in_dim3A_16 : f32 to vector<1x32xf32>
    %get3A_18 = arith.constant 0 : index
    %get3A_19 = arith.constant 0 : index
    %get3A_20 = vector.load %arg2[%get3A_18, %get3A_19] : memref<32x1024xf32, #tpu.memory_space<vmem>>, vector<32x1024xf32>
    %dot_general3A_21 = arith.constant dense<0.000000e+00> : vector<1x1024xf32>
    %dot_general3A_22 = tpu.matmul %broadcast_in_dim3A_17, %get3A_20, %dot_general3A_21 {dimension_numbers = #tpu.dot_dimension_numbers<[1], [0], [0], [1], [0, 0, 1, 1], [], []>, precision = #tpu.contract_precision<fp32>, transpose_lhs_hint = false} : vector<1x32xf32>, vector<32x1024xf32>, vector<1x1024xf32> -> vector<1x1024xf32>
    %gt3A = arith.constant 0.000000e+00 : f32
    %gt3A_23 = vector.broadcast %gt3A : f32 to vector<1x1024xf32>
    %gt3A_24 = arith.cmpf ogt, %dot_general3A_22, %gt3A_23 : vector<1x1024xf32>
    %convert_element_type3A = arith.extui %gt3A_24 : vector<1x1024xi1> to vector<1x1024xi32>
    %convert_element_type3A_25 = arith.sitofp %convert_element_type3A : vector<1x1024xi32> to vector<1x1024xf32>
    %mul3A_26 = arith.mulf %convert_element_type3A_25, %dot_general3A_22 : vector<1x1024xf32>
    %sub3A = arith.constant 1.000000e+00 : f32
    %sub3A_27 = vector.broadcast %sub3A : f32 to vector<1x1024xf32>
    %sub3A_28 = arith.subf %sub3A_27, %convert_element_type3A_25 : vector<1x1024xf32>
    %add3A_29 = arith.addf %mul3A_26, %sub3A_28 : vector<1x1024xf32>
    %div3A_30 = vector.broadcast %add3A_29 : vector<1x1024xf32> to vector<512x1024xf32>
    %div3A_31 = arith.divf %mul3A_15, %div3A_30 : vector<512x1024xf32>
    %exp3A = math.exp %div3A_31 : vector<512x1024xf32>
    %mul3A_32 = vector.broadcast %convert_element_type3A_25 : vector<1x1024xf32> to vector<512x1024xf32>
    %mul3A_33 = arith.mulf %exp3A, %mul3A_32 : vector<512x1024xf32>
    %reduce_sum3A_34 = arith.constant dense<0.000000e+00> : vector<512xf32>
    %reduce_sum3A_35 = vector.multi_reduction <add>, %mul3A_33, %reduce_sum3A_34 [1] : vector<512x1024xf32> to vector<512xf32>
    %broadcast_in_dim3A_36 = vector.shape_cast %reduce_sum3A_35 : vector<512xf32> to vector<512x1xf32>
    %add3A_37 = arith.constant 9.99999997E-7 : f32
    %add3A_38 = vector.broadcast %add3A_37 : f32 to vector<512x1xf32>
    %add3A_39 = arith.addf %broadcast_in_dim3A_36, %add3A_38 : vector<512x1xf32>
    %div3A_40 = vector.broadcast %add3A_39 : vector<512x1xf32> to vector<512x1024xf32>
    %div3A_41 = arith.divf %mul3A_33, %div3A_40 : vector<512x1024xf32>
    %add3A_42 = arith.constant 9.99999997E-7 : f32
    %add3A_43 = vector.broadcast %add3A_42 : f32 to vector<512x1024xf32>
    %add3A_44 = arith.addf %div3A_41, %add3A_43 : vector<512x1024xf32>
    %log3A = math.log %add3A_44 : vector<512x1024xf32>
    %get3A_45 = arith.constant 0 : index
    %get3A_46 = arith.constant 0 : index
    %get3A_47 = vector.load %arg3[%get3A_45, %get3A_46] : memref<32x16xi32, #tpu.memory_space<vmem>>, vector<32x16xi32>
    %reshape3A = vector.shape_cast %get3A_47 : vector<32x16xi32> to vector<32x16x1xi32>
    %reshape3A_48 = vector.shape_cast %log3A : vector<512x1024xf32> to vector<32x16x1024xf32>
    %iota3A = tpu.iota {dimensions = array<i32: 2>} : vector<32x16x1024xi32>
    %eq3A = vector.broadcast %reshape3A : vector<32x16x1xi32> to vector<32x16x1024xi32>
    %eq3A_49 = arith.cmpi eq, %iota3A, %eq3A : vector<32x16x1024xi32>
    %jit3A = arith.constant 0.000000e+00 : f32
    %broadcast_in_dim3A_50 = vector.broadcast %jit3A : f32 to vector<32x16x1024xf32>
    %select_n3A = arith.select %eq3A_49, %reshape3A_48, %broadcast_in_dim3A_50 : vector<32x16x1024xi1>, vector<32x16x1024xf32>
    %reduce_sum3A_51 = vector.shape_cast %select_n3A : vector<32x16x1024xf32> to vector<1x32x16x1024xf32>
    %reduce_sum3A_52 = arith.constant dense<0.000000e+00> : vector<1xf32>
    %reduce_sum3A_53 = vector.multi_reduction <add>, %reduce_sum3A_51, %reduce_sum3A_52 [1, 2, 3] : vector<1x32x16x1024xf32> to vector<1xf32>
    %reduce_sum3A_54 = vector.shape_cast %reduce_sum3A_53 : vector<1xf32> to vector<1x1x1x1xf32>
    %reduce_sum3A_55 = vector.extract %reduce_sum3A_54[0, 0, 0, 0] : f32 from vector<1x1x1x1xf32>
    %neg3A = arith.constant 0.000000e+00 : f32
    %neg3A_56 = arith.subf %neg3A, %reduce_sum3A_55 : f32
    %mul3A_57 = arith.constant 0.001953125 : f32
    %mul3A_58 = arith.mulf %neg3A_56, %mul3A_57 : f32
    %swap3A = arith.constant 0 : index
    %swap3A_59 = arith.constant 0 : index
    %swap3A_60 = memref.load %arg4[%swap3A, %swap3A_59] : memref<1x1xf32, #tpu.memory_space<smem>>
    memref.store %mul3A_58, %arg4[%swap3A, %swap3A_59] : memref<1x1xf32, #tpu.memory_space<smem>>
    return
  }
}

</mosaic_0001>

<sc_bundles>
// kernel: kernel.4.cloned.1.call-start
scs
__scs_entry_jumppad:
0x0: {  	(pc) =	sbr.rel $0x88, $3  }
0x1: {  	(tag) =	ssettag $0x0;
	lr =	simm.s32 $0x1  }
0x2: {  	[smem:$0x3F9D] =	sst lr;
	_ =	strace $0xD0000000  }
0x3: {  	_ = 	snop  }
0x4: {  	_ = 	snop  }
0x5: {  	_ = 	snop  }
0x6: {  	_ = 	snop  }
0x7: {  	_ = 	snop  }
__scs_overlays_trampoline_lowered:
0x8: {  	[smem:$0x3FAC] =	sst s0  }
0x9: {  	[smem:$0x3FAD] =	sst s1  }
0xa: {  	[smem:$0x3FAE] =	sst s2  }
0xb: {  	[smem:$0x3FAF] =	sst s3  }
0xc: {  	[smem:$0x3FB0] =	sst s4  }
0xd: {  	[smem:$0x3FB1] =	sst s5  }
0xe: {  	[smem:$0x3FB2] =	sst s6  }
0xf: {  	[smem:$0x3FB3] =	sst s7  }
0x10: {  	[smem:$0x3FB4] =	sst s8  }
0x11: {  	[smem:$0x3FB5] =	sst s9;
	s0 =	simm.s32 @!p0 $0x0  }
0x12: {  	s1 =	sld [smem:$0x3F9B];
	s0 =	simm.s32 @p0 $0x1  }
0x13: {  	[smem:$0x3FB6] =	sst s0;
	s0 =	simm.s32 @!p1 $0x0  }
0x14: {  	s2 =	sld [smem:$0x3F9A];
	s0 =	simm.s32 @p1 $0x1  }
0x15: {  	[smem:$0x3FB7] =	sst s0;
	s0 =	simm.s32 @!p2 $0x0  }
0x16: {  	s3 =	sld [smem:$0x3FDB];
	s0 =	simm.s32 @p2 $0x1  }
0x17: {  	s4 =	simm.s32 $0x1BF5;
	[smem:$0x3FB9] =	sst s0  }
0x18: {  	s0 =	sld [smem:$0x3F9C];
	_ =	swait.ge [sflag:s4], $0x0  }
0x19: {  	s7 =	sld [smem:$0x3F9D]  }
0x1a: {  	s8 =	sadd.s32 $0xFFFFE003, lr  }
0x1b: {  	s9 =	sadd.s32 $0xFFFFFEF7, lr;
	s5 =	simm.s32 $0xFFFFFFFF;
	p2 =	slt.u32 s8, $0xFFFFF086  }
0x1c: {  	p1 =	slt.u32 s9, $0xF7A;
	s5 =	simm.s32 @!p2 $0x0  }
0x1d: {  	s5 =	simm.s32 @p1 $0x1;
	p0 =	seq.s32 s7, s2  }
0x1e: {  	s7 =	smul.u32 @!p0 $0xF7A, s2;
	p2 =	seq.s32 @!p0 s5, $0x0  }
0x1f: {  	s9 =	smul.u32 $0xF7A, s1;
	s8 =	simm.s32 @!p0 $0x1BF5;
	p2 =	por !p2, p0  }
0x20: {  	[sflag:s8] =	ssyncset.s32 @!p0 $0xFFFFF086;
	s6 =	sadd.s32 @!p0 s3, s7;
	s7 =	simm.s32 @!p0 $0x108  }
0x21: {  	s3 =	sadd.s32 s3, s9;
	s6 =	sadd.s32 @!p0 $0x88, s6;
	s7 =	simm.s32 @p2 $0x1082  }
0x22: {  	[simem:s7], [sflag:s8] =	dma.local @!p0 [hbm:s6], $0xF7A  }
0x23: {  	s9 =	sor.u32 $0xD0000000, s2;
	s6 =	simm.s32 $0x108;
	_ =	swait.ge @!p0 [sflag:s8], $0x0  }
0x24: {  	s3 =	sadd.s32 $0x88, s3;
	s6 =	simm.s32 @!p1 $0x1082;
	[sflag:s4] =	ssyncset.s32 $0xFFFFF086  }
0x25: {  	[simem:s6], [sflag:s4] =	dma.local [hbm:s3], $0xF7A  }
0x26: {  	[smem:$0x3F9D] =	sst s1;
	(tag) =	ssettag s2;
	_ =	strace s9  }
0x27: {  	s1 =	sld [smem:$0x3FAD]  }
0x28: {  	s2 =	sld [smem:$0x3FAE]  }
0x29: {  	s4 =	sld [smem:$0x3FB0]  }
0x2a: {  	p0 =	seq.s32 s5, $0x0;
	s5 =	sld [smem:$0x3FB1]  }
0x2b: {  	s6 =	sld [smem:$0x3FB2]  }
0x2c: {  	s7 =	sld [smem:$0x3FB3]  }
0x2d: {  	s3 =	simm.s32 $0x108;
	s8 =	sld [smem:$0x3FB4]  }
0x2e: {  	s3 =	simm.s32 @!p0 $0x1082;
	s9 =	sld [smem:$0x3FB5]  }
0x2f: {  	lr =	sadd.s32 s0, s3;
	s0 =	sld [smem:$0x3FAC]  }
0x30: {  	s3 =	sld [smem:$0x3FAF]  }
0x31: {  	[smem:$0x3FB8] =	sst s10  }
0x32: {  	s10 =	sld [smem:$0x3FB6];
	_ =	sdelay $0x3  }
0x33: {  	p0 =	seq.s32 s10, $0x1;
	s10 =	sld [smem:$0x3FB8];
	_ =	sdelay $0x3  }
0x34: {  	[smem:$0x3FB8] =	sst s10  }
0x35: {  	s10 =	sld [smem:$0x3FB7];
	_ =	sdelay $0x3  }
0x36: {  	p1 =	seq.s32 s10, $0x1;
	s10 =	sld [smem:$0x3FB8];
	_ =	sdelay $0x3  }
0x37: {  	[smem:$0x3FB8] =	sst s10  }
0x38: {  	s10 =	sld [smem:$0x3FB9]  }
0x39: {  	_ = 	snop;
	(pc) =	sbr.ind lr, $3  }
0x3a: {  	_ = 	snop  }
0x3b: {  	_ = 	snop  }
0x3c: {  	p2 =	seq.s32 s10, $0x1;
	s10 =	sld [smem:$0x3FB8]  }
0x3d: {  	_ =	shalt  }
0x3e: {  	_ =	shalt  }
0x3f: {  	_ =	shalt  }
0x40: {  	_ =	shalt  }
0x41: {  	_ =	shalt  }
0x42: {  	_ =	shalt  }
0x43: {  	_ =	shalt  }
0x44: {  	_ =	shalt  }
0x45: {  	_ =	shalt  }
0x46: {  	_ =	shalt  }
0x47: {  	_ =	shalt  }
0x48: {  	_ =	shalt  }
0x49: {  	_ =	shalt  }
0x4a: {  	_ =	shalt  }
0x4b: {  	_ =	shalt  }
0x4c: {  	_ =	shalt  }
0x4d: {  	_ =	shalt  }
0x4e: {  	_ =	shalt  }
0x4f: {  	_ =	shalt  }
0x50: {  	_ =	shalt  }
0x51: {  	_ =	shalt  }
0x52: {  	_ =	shalt  }
0x53: {  	_ =	shalt  }
0x54: {  	_ =	shalt  }
0x55: {  	_ =	shalt  }
0x56: {  	_ =	shalt  }
0x57: {  	_ =	shalt  }
0x58: {  	_ =	shalt  }
0x59: {  	_ =	shalt  }
0x5a: {  	_ =	shalt  }
0x5b: {  	_ =	shalt  }
0x5c: {  	_ =	shalt  }
0x5d: {  	_ =	shalt  }
0x5e: {  	_ =	shalt  }
0x5f: {  	_ =	shalt  }
0x60: {  	_ =	shalt  }
0x61: {  	_ =	shalt  }
0x62: {  	_ =	shalt  }
0x63: {  	_ =	shalt  }
0x64: {  	_ =	shalt  }
0x65: {  	_ =	shalt  }
0x66: {  	_ =	shalt  }
0x67: {  	_ =	shalt  }
0x68: {  	_ =	shalt  }
0x69: {  	_ =	shalt  }
0x6a: {  	_ =	shalt  }
0x6b: {  	_ =	shalt  }
0x6c: {  	_ =	shalt  }
0x6d: {  	_ =	shalt  }
0x6e: {  	_ =	shalt  }
0x6f: {  	_ =	shalt  }
0x70: {  	_ =	shalt  }
0x71: {  	_ =	shalt  }
0x72: {  	_ =	shalt  }
0x73: {  	_ =	shalt  }
0x74: {  	_ =	shalt  }
0x75: {  	_ =	shalt  }
0x76: {  	_ =	shalt  }
0x77: {  	_ =	shalt  }
0x78: {  	_ =	shalt  }
0x79: {  	_ =	shalt  }
0x7a: {  	_ =	shalt  }
0x7b: {  	_ =	shalt  }
0x7c: {  	_ =	shalt  }
0x7d: {  	_ =	shalt  }
0x7e: {  	_ =	shalt  }
0x7f: {  	_ =	shalt  }
0x80: {  	_ =	shalt  }
0x81: {  	_ =	shalt  }
0x82: {  	_ =	shalt  }
0x83: {  	_ =	shalt  }
0x84: {  	_ =	shalt  }
0x85: {  	_ =	shalt  }
0x86: {  	_ =	shalt  }
0x87: {  	_ =	shalt  }
.Lfunc_end0:
.L_simem_size_0:
called_computation_lowered:
.L_overlay_start_0:
0x88: {  	s2 =	sld [smem:$0x3FD9]  }
0x89: {  	s3 =	sld [smem:$0x3FFE];
	_ =	sdelay $0x1  }
0x8a: {  	s1 =	srdreg.scid  }
0x8b: {  	s0 =	sand.u32 $0x1, s1  }
0x8c: {  	s17 =	sshll.u32 s0, $0xA;
	s2 =	sadd.s32 s3, s2  }
0x8d: {  	s2 =	sadd.s32 s2, s17  }
0x8e: {  	[smem:$0x3FC4] =	sst s2  }
0x8f: {  	_ = 	snop  }
0x90: {  	s2 =	sld [smem:$0x3FC8]  }
0x91: {  	s18 =	sld [smem:$0x3FC7]  }
0x92: {  	s4 =	sld [smem:$0x3FC6];
	(tm) =	ssettm $0x1  }
0x93: {  	s5 =	sld [smem:$0x3FFB];
	_ =	sdelay $0x3  }
0x94: {  	_ =	strace s5  }
0x95: {  	s5 =	sld [smem:$0x3FFC];
	_ =	sdelay $0x3  }
0x96: {  	_ =	strace s5  }
0x97: {  	s5 =	sld [smem:$0x3FFD];
	_ =	sdelay $0x3  }
0x98: {  	_ =	strace s5  }
0x99: {  	_ =	strace $0x8FFFFFFF  }
0x9a: {  	s19 =	sld [smem:$0x3FDB];
	_ =	sdelay $0x1  }
0x9b: {  	s6 =	simm.s32 $_scs_section_size  }
0x9c: {  	s7 =	simm.s32 $_size__tile_overlayer_lowered;
	s8 =	simm.s32 $_tile_overlayer_lowered  }
0x9d: {  	s22 =	simm.s32 $0x1BFF;
	s21 =	sshll.u32 s8, $0x1;
	s5 =	sadd.s32 s6, s19  }
0x9e: {  	s9 =	simm.s32 $0x0;
	s20 =	sshll.u32 s7, $0x1;
	s7 =	sadd.s32 s21, s5  }
0x9f: {  	[timem:s9], [sflag:s22] =	dma.local [hbm:s7], s20  }
0xa0: {  	_ =	swait.ge [sflag:s22], s20  }
0xa1: {  	s6 =	ssub.s32 $0x0, s20;
	[sflag:s22] =	ssyncset.done $0x0  }
0xa2: {  	[sflag:s22] =	ssyncadd.s32 s6;
	_ =	sdelay $0x1  }
0xa3: {  	s23 =	simm.s32 $0x1B8B  }
0xa4: {  	_ =	swait.ge [sflag:s23], $0x1  }
0xa5: {  	[sflag:s23] =	ssyncset.done $0x0  }
0xa6: {  	s25 =	simm.s32 $0x1B8E;
	s24 =	sld [smem:$0x3FFE];
	[sflag:s23] =	ssyncadd.s32 $0xFFFFFFFF  }
0xa7: {  	s26 =	simm.s32 $execute0_lowered;
	[smem:$0x3FD2] =	sst s25  }
0xa8: {  	s7 =	sshll.u32 s26, $0x1;
	_ =	strace $0x80000046;
	[dreg:$0x1] =	wrdreg $0xFFFFFFFF  }
0xa9: {  	s28 =	simm.s32 $_size_execute0_lowered;
	s5 =	sadd.s32 s5, s7;
	[dreg:$0x0] =	wrdreg $0x0  }
0xaa: {  	s7 =	sshll.u32 s28, $0x1;
	[dreg:$0x2] =	wrdreg s5  }
0xab: {  	[dreg:$0x3] =	wrdreg s7  }
0xac: {  	[dreg:$0x4] =	wrdreg $0xC0  }
0xad: {  	_ =	task [dreg:s9], $0x5FFFF  }
0xae: {  	[dreg:$0x1] =	wrdreg $0xFFFFFFFF  }
0xaf: {  	[dreg:$0x0] =	wrdreg $0x60  }
0xb0: {  	[dreg:$0x2] =	wrdreg s18  }
0xb1: {  	[dreg:$0x3] =	wrdreg s4  }
0xb2: {  	[dreg:$0x4] =	wrdreg s2  }
0xb3: {  	[dreg:$0x5] =	wrdreg s24  }
0xb4: {  	[dreg:$0x6] =	wrdreg $0x188800  }
0xb5: {  	[dreg:$0x7] =	wrdreg $0x9  }
0xb6: {  	_ =	task.clear_ibuf [dreg:s9], $0x8FFFF;
	_ =	strace $0x90000046  }
0xb7: {  	s29 =	simm.s32 $0x9;
	_ =	strace $0x80000048  }
0xb8: {  	_ =	swait.ge [sflag:s29], $0x1  }
0xb9: {  	[sflag:s29] =	ssyncadd.s32 $0xFFFFFFFF  }
0xba: {  	_ =	strace $0x90000048  }
0xbb: {  	_ =	sfence  }
0xbc: {  	s30 =	sld [smem:$0x0];
	_ =	sdelay $0x2  }
0xbd: {  	s31 =	sshll.u32 s1, $0xD;
	s1 =	sshrl.u32 s1, $0x2  }
0xbe: {  	s3 =	sand.u32 $0x4000, s31;
	s1 =	sadd.s32 s1, s30  }
0xbf: {  	s0 =	sor.u32 s3, s0;
	s1 =	sshll.u32 s1, $0x11  }
0xc0: {  	s0 =	sor.u32 s1, s0  }
0xc1: {  	s0 =	sadd.s32 $0x8F2B, s0  }
0xc2: {  	[sflag:s0] =	ssyncadd.remote.s32 $0x1  }
0xc3: {  	_ =	sfence.sel $0xFFFF  }
0xc4: {  	[dreg:$0x0] =	wrdreg $0xFFFFFFFF;
	(pc) =	sbr.abs _section_cstart, $3  }
0xc5: {  	[dreg:$0x1] =	wrdreg $0xFFFFFFFF  }
0xc6: {  	_ =	task.clear_ibuf [dreg:s9], $0x2FFFF;
	_ =	strace $0x9FFFFFFF  }
0xc7: {  	(tm) =	ssettm $0x7FFFFFFF  }
tec
execute0_lowered:
.L_overlay_start_1:
0x0: {  	(tag) =	ssettag $0x1  }
0x1: {  	s0 =	rddreg [dreg:$0x0]  }
0x2: {  	s13 =	rddreg [dreg:$0x1]  }
0x3: {  	s1 =	rddreg [dreg:$0x2]  }
0x4: {  	s2 =	srdreg.scid;
	s5 =	rddreg [dreg:$0x3]  }
0x5: {  	s3 =	rddreg [dreg:$0x4];
	s14 =	stileid.u32  }
0x6: {  	s28 =	simm.s32 $0xB;
	s29 =	simm.s32 $0xC000;
	s30 =	simm.s32 $0x18180  }
0x7: {  	s31 =	simm.s32 $0xC;
	s2 =	sand.u32 $0x1, s2;
	s8 =	sshll.u32 s14, $0x7  }
0x8: {  	s10 =	sshll.u32 s14, $0xA;
	s12 =	sshll.u32 s14, $0xD;
	s17 =	sshll.u32 s14, $0x6  }
0x9: {  	s20 =	sadd.s32 $0x186800, s0;
	s21 =	sadd.s32 $0x30D0, s13;
	s24 =	sshll.u32 s14, $0x4  }
0xa: {  	s25 =	sshll.u32 s14, $0xB;
	s4 =	sshll.u32 s2, $0x4;
	s8 =	sand.u32 $0x380, s8  }
0xb: {  	s10 =	sadd.s32 s10, s5;
	s26 =	ssub.s32 $0x2, s2;
	s15 =	sadd.s32 s12, s3  }
0xc: {  	s19 =	sshll.u32 s2, $0xE;
	s22 =	sshll.u32 s2, $0x8;
	s2 =	sshll.u32 s2, $0xF  }
0xd: {  	s6 =	sor.u32 s14, s4;
	s4 =	simm.s32 $0x0;
	s11 =	sshrl.u32 s26, $0x1  }
0xe: {  	s16 =	sadd.s32 $0x1000, s10;
	s0 =	sadd.s32 s2, s0;
	s2 =	simm.s32 $0x18200  }
0xf: {  	s7 =	sshrl.u32 s6, $0x3;
	[smem:$0x7FF] =	sst s4;
	s18 =	sshll.u32 s6, $0x1  }
0x10: {  	s0 =	sadd.s32 s25, s0;
	p0 =	sne.s32 s6, $0x1F;
	s25 =	simm.s32 $0x8000  }
0x11: {  	s9 =	sshll.u32 s7, $0xD;
	_ =	strace $0x80000047;
	[dreg:$0x6] =	wrdreg s16  }
0x12: {  	s7 =	sshll.u32 s7, $0xA;
	s1 =	sadd.s32 s1, s18;
	[dreg:$0xa] =	wrdreg s20  }
0x13: {  	[dreg:$0xb] =	wrdreg s21;
	s0 =	sadd.s32 $0x50000, s0;
	s18 =	simm.s32 $0xE  }
0x14: {  	s20 =	simm.s32 $0x18000;
	s21 =	simm.s32 $0x9;
	s9 =	sor.u32 s8, s9  }
0x15: {  	s7 =	sor.u32 s8, s7;
	s8 =	ssub.s32 s26, s11;
	[dreg:$0x8] =	wrdreg s1  }
0x16: {  	s11 =	sor.u32 $0x1C0E, s17;
	s1 =	sadd.s32 s19, s10;
	[dreg:$0xf] =	wrdreg s0  }
0x17: {  	s26 =	sor.u32 $0xA0, s6;
	s19 =	simm.s32 $0x8;
	s0 =	simm.s32 $0xD  }
0x18: {  	s9 =	sshrl.u32 s9, $0x3;
	s7 =	sshrl.u32 s7, $0x3;
	[dreg:$0x10] =	wrdreg s26  }
0x19: {  	s1 =	sadd.s32 $0x5000, s1;
	s26 =	simm.s32 $0x18100;
	[dreg:$0x7] =	wrdreg s11  }
0x1a: {  	s9 =	sadd.s32 s9, s5;
	s5 =	sadd.s32 s7, s5;
	[dreg:$0xc] =	wrdreg s1  }
0x1b: {  	s1 =	sadd.s32 s22, s13;
	s7 =	smax.u32 s8, $0x1;
	s8 =	sshrl.u32 s15, $0x3  }
.Ltmp0:
0x1c: {  	s22 =	simm.s32 $0x4000;
	s5 =	sadd.s32 $0xE000, s5;
	(pc) =	sbr.rel .LBB2_1-.Ltmp0, $4  }
0x1d: {  	s23 =	sadd.s32 $0xD000, s9;
	[dreg:$0xe] =	wrdreg s7;
	s14 =	sadd.s32 s24, s1  }
0x1e: {  	s24 =	simm.s32 $0xA;
	s1 =	simm.s32 $0x10000;
	[dreg:$0x11] =	wrdreg s8  }
0x1f: {  	s7 =	simm.s32 $0x18280;
	s9 =	simm.s32 $0x0;
	[dreg:$0x9] =	wrdreg s5  }
0x20: {  	v0 =	vimm.f32 $0.0e+00;
	[dreg:$0xd] =	wrdreg s23;
	s23 =	simm.s32 $0x18080;
	s5 =	simm.s32 $0x14000  }
.LBB2_27:
0x21: {  	s6 =	rddreg [dreg:$0x8];
	s8 =	simm.s32 $0x18380  }
0x22: {  	[tilespmem:s8], [sflag:$0xE] =	stream.linear.gather [hbm4b:s6+s4], $0x10, $0x38;
	[tilespmem:$0x1A880] =	vst v63  }
0x23: {  	_ =	swait.ge [sflag:s18], $0x10  }
0x24: {  	[sflag:s18] =	ssyncset.done $0x0  }
0x25: {  	s9 =	simm.s32 $0x10;
	[sflag:s18] =	ssyncadd.s32 $0xFFFFFFF0  }
0x26: {  	s10 =	simm.s32 $0x18400;
	s17 =	simm.s32 $0x1;
	s16 =	rddreg [dreg:$0x1]  }
0x27: {  	[tilespmem:s10], [sflag:$0x1] =	stream.indirect.gather [hbm4b:s16+s9], $0x1, s8, s9, $0xb8;
	[tilespmem:$0x1A880] =	vst v63  }
0x28: {  	_ =	swait.ge [sflag:s17], $0x10  }
0x29: {  	[sflag:s17] =	ssyncset.done $0x0  }
0x2a: {  	s8 =	rddreg [dreg:$0x9];
	[sflag:s17] =	ssyncadd.s32 $0xFFFFFFF0  }
0x2b: {  	[hbm4b:s8+s4] =	stream.linear.scatter [tilespmem:s10], [sflag:$0xE], $0x80, $0x38;
	[tilespmem:$0x1A880] =	vst v63  }
0x2c: {  	_ =	swait.ge [sflag:s18], $0x80  }
0x2d: {  	[sflag:s18] =	ssyncset.done $0x0  }
0x2e: {  	[sflag:s18] =	ssyncadd.s32 $0xFFFFFF80  }
0x2f: {  	_ =	swait.ge [sflag:s19], $0x4000  }
0x30: {  	[sflag:s19] =	ssyncset.done $0x0  }
0x31: {  	[sflag:s19] =	ssyncadd.s32 $0xFFFFC000  }
0x32: {  	_ =	swait.ge [sflag:s21], $0x4000  }
0x33: {  	[sflag:s21] =	ssyncset.done $0x0  }
0x34: {  	[sflag:s21] =	ssyncadd.s32 $0xFFFFC000  }
0x35: {  	_ =	swait.ge [sflag:s24], $0x4000  }
0x36: {  	[sflag:s24] =	ssyncset.done $0x0  }
0x37: {  	[sflag:s24] =	ssyncadd.s32 $0xFFFFC000  }
0x38: {  	_ =	swait.ge [sflag:s28], $0x4000  }
0x39: {  	[sflag:s28] =	ssyncset.done $0x0  }
0x3a: {  	[sflag:s28] =	ssyncadd.s32 $0xFFFFC000  }
0x3b: {  	_ =	swait.ge [sflag:s31], $0x4000  }
0x3c: {  	[sflag:s31] =	ssyncset.done $0x0  }
0x3d: {  	[sflag:s31] =	ssyncadd.s32 $0xFFFFC000  }
0x3e: {  	_ =	swait.ge [sflag:s0], $0x4000  }
0x3f: {  	[sflag:s0] =	ssyncset.done $0x0  }
0x40: {  	s6 =	simm.s32 @!p0 $0x0;
	s8 =	rddreg [dreg:$0xa];
	[sflag:s0] =	ssyncadd.s32 $0xFFFFC000  }
0x41: {  	[tilespmem:s6], [sflag:$0xE] =	stream.linear.gather @!p0 [hbm4b:s8+s6], $0x1000, $0x38;
	[tilespmem:$0x1A880] =	vst v63  }
0x42: {  	s8 =	simm.s32 @!p0 $0xE  }
0x43: {  	_ =	swait.ge @!p0 [sflag:s8], $0x1000  }
0x44: {  	[sflag:s8] =	ssyncset.done @!p0 $0x0  }
0x45: {  	s9 =	simm.s32 @!p0 $0x18300;
	s10 =	rddreg [dreg:$0xb];
	[sflag:s8] =	ssyncadd.s32 @!p0 $0xFFFFF000  }
0x46: {  	[tilespmem:s9], [sflag:$0xE] =	stream.linear.gather @!p0 [hbm4b:s10+s6], $0x20, $0x38;
	[tilespmem:$0x1A880] =	vst v63  }
0x47: {  	_ =	swait.ge @!p0 [sflag:s8], $0x20  }
0x48: {  	[sflag:s8] =	ssyncset.done @!p0 $0x0  }
0x49: {  	s10 =	simm.s32 @!p0 $0x20;
	[sflag:s8] =	ssyncadd.s32 @!p0 $0xFFFFFFE0  }
0x4a: {  	[spmem:s3] =	stream.indirect.scatter.add.f32 @!p0 [tilespmem:s6], [sflag:$0xE], $0x80, s9, s10, $0xb8;
	[tilespmem:$0x1A880] =	vst v63  }
0x4b: {  	_ =	swait.ge @!p0 [sflag:s8], $0x1000  }
0x4c: {  	[sflag:s8] =	ssyncset.done @!p0 $0x0  }
0x4d: {  	[sflag:s8] =	ssyncadd.s32 @!p0 $0xFFFFF000  }
0x4e: {  	v1 =	vld @!p0 [tilespmem:$0x18300];
	_ =	sdelay $0x6  }
0x4f: {  	v2 =	vimm.f32 @!p0 $1.000000000e+00;
	s6 =	simm.s32 @!p0 $0x18480  }
0x50: {  	[tilespmem:v1+s6+$0x0] =	vst.idx.add.f32.msk @!p0 $0xffff, v2  }
0x51: {  	v1 =	vld @!p0 [tilespmem:$0x18310];
	_ =	sdelay $0x7  }
0x52: {  	[tilespmem:v1+s6+$0x0] =	vst.idx.add.f32.msk @!p0 $0xffff, v2  }
0x53: {  	[bflag:$0x0] =	sbarrier.arrive $0xFFFF  }
0x54: {  	s11 =	rddreg [dreg:$0x7]  }
0x55: {  	s9 =	rddreg [dreg:$0xc]  }
0x56: {  	s8 =	rddreg [dreg:$0x11]  }
0x57: {  	[hbm:s9], [sflag:s11] =	dma.local [spmem:s8], $0x400  }
0x58: {  	_ =	swait.ge [sflag:s18], $0x400  }
0x59: {  	s13 =	simm.s32 $0x80;
	s15 =	simm.s32 $0x400;
	[sflag:s18] =	ssyncset.done $0x0  }
0x5a: {  	s12 =	simm.s32 $0x18480;
	s10 =	rddreg [dreg:$0xd];
	[sflag:s18] =	ssyncadd.s32 $0xFFFFFC00  }
0x5b: {  	[hbm4b:s10+s13] =	stream.strided.scatter [tilespmem:s12], [sflag:$0xE], $0x400, s15, s13, $0x38;
	[tilespmem:$0x1A880] =	vst v63  }
0x5c: {  	_ =	swait.ge [sflag:s18], $0x400  }
0x5d: {  	s16 =	rddreg [dreg:$0x12]  }
0x5e: {  	s17 =	rddreg [dreg:$0xe];
	s9 =	sadd.s32 $0x1, s16  }
0x5f: {  	p1 =	sne.s32 s9, s17  }
.Ltmp1:
0x60: {  	_ = 	snop;
	(pc) =	sbr.rel @!p1 .LBB2_28-.Ltmp1, $3  }
0x61: {  	_ =	sdelay $0x1  }
0x62: {  	[sflag:s18] =	ssyncset.done $0x0  }
0x63: {  	[sflag:s18] =	ssyncadd.s32 $0xFFFFFC00  }
.LBB2_1:
0x64: {  	[dreg:$0x12] =	wrdreg s9  }
0x65: {  	s6 =	rddreg [dreg:$0x6]  }
0x66: {  	[spmem:s8], [sflag:s11] =	dma.local [hbm:s6], $0x400  }
0x67: {  	_ =	swait.ge [sflag:s18], $0x400  }
0x68: {  	[sflag:s18] =	ssyncset.done $0x0  }
0x69: {  	[sflag:s18] =	ssyncadd.s32 $0xFFFFFC00  }
0x6a: {  	[tilespmem:$0x18480] =	vst v0  }
0x6b: {  	[tilespmem:$0x18490] =	vst v0  }
0x6c: {  	[tilespmem:$0x184A0] =	vst v0  }
0x6d: {  	[tilespmem:$0x184B0] =	vst v0  }
0x6e: {  	[tilespmem:$0x184C0] =	vst v0  }
0x6f: {  	[tilespmem:$0x184D0] =	vst v0  }
0x70: {  	[tilespmem:$0x184E0] =	vst v0  }
0x71: {  	[tilespmem:$0x184F0] =	vst v0  }
0x72: {  	[tilespmem:$0x18500] =	vst v0  }
0x73: {  	[tilespmem:$0x18510] =	vst v0  }
0x74: {  	[tilespmem:$0x18520] =	vst v0  }
0x75: {  	[tilespmem:$0x18530] =	vst v0  }
0x76: {  	[tilespmem:$0x18540] =	vst v0  }
0x77: {  	[tilespmem:$0x18550] =	vst v0  }
0x78: {  	[tilespmem:$0x18560] =	vst v0  }
0x79: {  	[tilespmem:$0x18570] =	vst v0  }
0x7a: {  	[tilespmem:$0x18580] =	vst v0  }
0x7b: {  	[tilespmem:$0x18590] =	vst v0  }
0x7c: {  	[tilespmem:$0x185A0] =	vst v0  }
0x7d: {  	[tilespmem:$0x185B0] =	vst v0  }
0x7e: {  	[tilespmem:$0x185C0] =	vst v0  }
0x7f: {  	[tilespmem:$0x185D0] =	vst v0  }
0x80: {  	[tilespmem:$0x185E0] =	vst v0  }
0x81: {  	[tilespmem:$0x185F0] =	vst v0  }
0x82: {  	[tilespmem:$0x18600] =	vst v0  }
0x83: {  	[tilespmem:$0x18610] =	vst v0  }
0x84: {  	[tilespmem:$0x18620] =	vst v0  }
0x85: {  	[tilespmem:$0x18630] =	vst v0  }
0x86: {  	[tilespmem:$0x18640] =	vst v0  }
0x87: {  	[tilespmem:$0x18650] =	vst v0  }
0x88: {  	[tilespmem:$0x18660] =	vst v0  }
0x89: {  	[tilespmem:$0x18670] =	vst v0  }
0x8a: {  	[tilespmem:$0x18680] =	vst v0  }
0x8b: {  	[tilespmem:$0x18690] =	vst v0  }
0x8c: {  	[tilespmem:$0x186A0] =	vst v0  }
0x8d: {  	[tilespmem:$0x186B0] =	vst v0  }
0x8e: {  	[tilespmem:$0x186C0] =	vst v0  }
0x8f: {  	[tilespmem:$0x186D0] =	vst v0  }
0x90: {  	[tilespmem:$0x186E0] =	vst v0  }
0x91: {  	[tilespmem:$0x186F0] =	vst v0  }
0x92: {  	[tilespmem:$0x18700] =	vst v0  }
0x93: {  	[tilespmem:$0x18710] =	vst v0  }
0x94: {  	[tilespmem:$0x18720] =	vst v0  }
0x95: {  	[tilespmem:$0x18730] =	vst v0  }
0x96: {  	[tilespmem:$0x18740] =	vst v0  }
0x97: {  	[tilespmem:$0x18750] =	vst v0  }
0x98: {  	[tilespmem:$0x18760] =	vst v0  }
0x99: {  	[tilespmem:$0x18770] =	vst v0  }
0x9a: {  	[tilespmem:$0x18780] =	vst v0  }
0x9b: {  	[tilespmem:$0x18790] =	vst v0  }
0x9c: {  	[tilespmem:$0x187A0] =	vst v0  }
0x9d: {  	[tilespmem:$0x187B0] =	vst v0  }
0x9e: {  	[tilespmem:$0x187C0] =	vst v0  }
0x9f: {  	[tilespmem:$0x187D0] =	vst v0  }
0xa0: {  	[tilespmem:$0x187E0] =	vst v0  }
0xa1: {  	[tilespmem:$0x187F0] =	vst v0  }
0xa2: {  	[tilespmem:$0x18800] =	vst v0  }
0xa3: {  	[tilespmem:$0x18810] =	vst v0  }
0xa4: {  	[tilespmem:$0x18820] =	vst v0  }
0xa5: {  	[tilespmem:$0x18830] =	vst v0  }
0xa6: {  	[tilespmem:$0x18840] =	vst v0  }
0xa7: {  	[tilespmem:$0x18850] =	vst v0  }
.Ltmp2:
0xa8: {  	[tilespmem:$0x18860] =	vst v0;
	(pc) =	sbr.rel .LBB2_2-.Ltmp2, $4  }
0xa9: {  	[tilespmem:$0x18870] =	vst v0  }
0xaa: {  	[bflag:$0x0] =	sbarrier.arrive $0xFFFF  }
0xab: {  	s16 =	rddreg [dreg:$0x10]  }
0xac: {  	s13 =	simm.s32 $0x0;
	s15 =	rddreg [dreg:$0xf]  }
.LBB2_23:
0xad: {  	_ =	swait.ge [sflag:s0], $0x4000  }
0xae: {  	[sflag:s0] =	ssyncset.done $0x0  }
0xaf: {  	[sflag:s0] =	ssyncadd.s32 $0xFFFFC000  }
.LBB2_25:
0xb0: {  	[tilespmem:s5], [sflag:$0x7] =	stream.linear.gather [hbm4b:s15+s4], $0x4000, $0x38;
	[tilespmem:$0x1A880] =	vst v63  }
0xb1: {  	s17 =	sadd.s32 s13, s14  }
0xb2: {  	s17 =	sadd.s32 $0xA00, s17  }
0xb3: {  	[tilespmem:s7], [sflag:$0x7] =	stream.linear.gather [hbm4b:s17+s4], $0x80, $0x38;
	[tilespmem:$0x1A880] =	vst v63  }
.LBB2_26:
0xb4: {  	p1 =	sgt.u32 s6, $0x30C  }
0xb5: {  	s6 =	simm.s32 @!p1 $0x2  }
0xb6: {  	_ =	swait.ge @!p1 [sflag:s6], $0x4000  }
0xb7: {  	[sflag:s6] =	ssyncset.done @!p1 $0x0  }
0xb8: {  	[sflag:s6] =	ssyncadd.s32 @!p1 $0xFFFFC000  }
0xb9: {  	_ =	swait.ge @!p1 [sflag:s6], $0x80  }
0xba: {  	s17 =	simm.s32 @!p1 $0x18000;
	[sflag:s6] =	ssyncset.done @!p1 $0x0  }
0xbb: {  	s11 =	simm.s32 @!p1 $0x0;
	[sflag:s6] =	ssyncadd.s32 @!p1 $0xFFFFFF80;
	s6 =	simm.s32 @!p1 $0x80  }
0xbc: {  	[spmem:s3] =	stream.indirect.scatter.add.f32 @!p1 [tilespmem:s11], [sflag:$0x8], $0x80, s17, s6, $0xb8;
	[tilespmem:$0x1A880] =	vst v63  }
0xbd: {  	v1 =	vld @!p1 [tilespmem:$0x18000];
	_ =	sdelay $0x6  }
0xbe: {  	v2 =	vimm.f32 @!p1 $1.000000000e+00;
	s6 =	simm.s32 @!p1 $0x18480  }
0xbf: {  	[tilespmem:v1+s6+$0x0] =	vst.idx.add.f32.msk @!p1 $0xffff, v2  }
0xc0: {  	v1 =	vld @!p1 [tilespmem:$0x18010];
	_ =	sdelay $0x7  }
0xc1: {  	[tilespmem:v1+s6+$0x0] =	vst.idx.add.f32.msk @!p1 $0xffff, v2  }
0xc2: {  	v1 =	vld @!p1 [tilespmem:$0x18020];
	_ =	sdelay $0x7  }
0xc3: {  	[tilespmem:v1+s6+$0x0] =	vst.idx.add.f32.msk @!p1 $0xffff, v2  }
0xc4: {  	v1 =	vld @!p1 [tilespmem:$0x18030];
	_ =	sdelay $0x7  }
0xc5: {  	[tilespmem:v1+s6+$0x0] =	vst.idx.add.f32.msk @!p1 $0xffff, v2  }
0xc6: {  	v1 =	vld @!p1 [tilespmem:$0x18040];
	_ =	sdelay $0x7  }
0xc7: {  	[tilespmem:v1+s6+$0x0] =	vst.idx.add.f32.msk @!p1 $0xffff, v2  }
0xc8: {  	v1 =	vld @!p1 [tilespmem:$0x18050];
	_ =	sdelay $0x7  }
0xc9: {  	[tilespmem:v1+s6+$0x0] =	vst.idx.add.f32.msk @!p1 $0xffff, v2  }
0xca: {  	v1 =	vld @!p1 [tilespmem:$0x18060];
	_ =	sdelay $0x7  }
0xcb: {  	[tilespmem:v1+s6+$0x0] =	vst.idx.add.f32.msk @!p1 $0xffff, v2  }
0xcc: {  	v1 =	vld @!p1 [tilespmem:$0x18070];
	_ =	sdelay $0x5  }
0xcd: {  	p2 =	sgt.u32 @!p1 s10, $0x30C  }
0xce: {  	p2 =	por p2, p1  }
0xcf: {  	[tilespmem:v1+s6+$0x0] =	vst.idx.add.f32.msk @!p1 $0xffff, v2;
	s6 =	simm.s32 @!p2 $0x3  }
0xd0: {  	_ =	swait.ge @!p2 [sflag:s6], $0x4000  }
0xd1: {  	[sflag:s6] =	ssyncset.done @!p2 $0x0  }
0xd2: {  	[sflag:s6] =	ssyncadd.s32 @!p2 $0xFFFFC000  }
0xd3: {  	_ =	swait.ge @!p2 [sflag:s6], $0x80  }
0xd4: {  	s10 =	simm.s32 @!p2 $0x18080;
	[sflag:s6] =	ssyncset.done @!p2 $0x0  }
0xd5: {  	s11 =	simm.s32 @!p2 $0x4000;
	[sflag:s6] =	ssyncadd.s32 @!p2 $0xFFFFFF80;
	s6 =	simm.s32 @!p2 $0x80  }
0xd6: {  	[spmem:s3] =	stream.indirect.scatter.add.f32 @!p2 [tilespmem:s11], [sflag:$0x9], $0x80, s10, s6, $0xb8;
	[tilespmem:$0x1A880] =	vst v63  }
0xd7: {  	v1 =	vld @!p2 [tilespmem:$0x18080];
	_ =	sdelay $0x6  }
0xd8: {  	v2 =	vimm.f32 @!p2 $1.000000000e+00;
	s6 =	simm.s32 @!p2 $0x18480  }
0xd9: {  	[tilespmem:v1+s6+$0x0] =	vst.idx.add.f32.msk @!p2 $0xffff, v2  }
0xda: {  	v1 =	vld @!p2 [tilespmem:$0x18090];
	_ =	sdelay $0x7  }
0xdb: {  	[tilespmem:v1+s6+$0x0] =	vst.idx.add.f32.msk @!p2 $0xffff, v2  }
0xdc: {  	v1 =	vld @!p2 [tilespmem:$0x180A0];
	_ =	sdelay $0x7  }
0xdd: {  	[tilespmem:v1+s6+$0x0] =	vst.idx.add.f32.msk @!p2 $0xffff, v2  }
0xde: {  	v1 =	vld @!p2 [tilespmem:$0x180B0];
	_ =	sdelay $0x7  }
0xdf: {  	[tilespmem:v1+s6+$0x0] =	vst.idx.add.f32.msk @!p2 $0xffff, v2  }
0xe0: {  	v1 =	vld @!p2 [tilespmem:$0x180C0];
	_ =	sdelay $0x7  }
0xe1: {  	[tilespmem:v1+s6+$0x0] =	vst.idx.add.f32.msk @!p2 $0xffff, v2  }
0xe2: {  	v1 =	vld @!p2 [tilespmem:$0x180D0];
	_ =	sdelay $0x7  }
0xe3: {  	[tilespmem:v1+s6+$0x0] =	vst.idx.add.f32.msk @!p2 $0xffff, v2  }
0xe4: {  	v1 =	vld @!p2 [tilespmem:$0x180E0];
	_ =	sdelay $0x7  }
0xe5: {  	[tilespmem:v1+s6+$0x0] =	vst.idx.add.f32.msk @!p2 $0xffff, v2  }
0xe6: {  	v1 =	vld @!p2 [tilespmem:$0x180F0];
	_ =	sdelay $0x6  }
0xe7: {  	p1 =	sgt.u32 s9, $0x30C  }
0xe8: {  	[tilespmem:v1+s6+$0x0] =	vst.idx.add.f32.msk @!p2 $0xffff, v2;
	s6 =	simm.s32 @!p1 $0x4  }
0xe9: {  	_ =	swait.ge @!p1 [sflag:s6], $0x4000  }
0xea: {  	[sflag:s6] =	ssyncset.done @!p1 $0x0  }
0xeb: {  	[sflag:s6] =	ssyncadd.s32 @!p1 $0xFFFFC000  }
0xec: {  	_ =	swait.ge @!p1 [sflag:s6], $0x80  }
0xed: {  	s9 =	simm.s32 @!p1 $0x18100;
	[sflag:s6] =	ssyncset.done @!p1 $0x0  }
0xee: {  	s10 =	simm.s32 @!p1 $0x8000;
	[sflag:s6] =	ssyncadd.s32 @!p1 $0xFFFFFF80;
	s6 =	simm.s32 @!p1 $0x80  }
0xef: {  	[spmem:s3] =	stream.indirect.scatter.add.f32 @!p1 [tilespmem:s10], [sflag:$0xA], $0x80, s9, s6, $0xb8;
	[tilespmem:$0x1A880] =	vst v63  }
0xf0: {  	v1 =	vld @!p1 [tilespmem:$0x18100];
	_ =	sdelay $0x6  }
0xf1: {  	v2 =	vimm.f32 @!p1 $1.000000000e+00;
	s6 =	simm.s32 @!p1 $0x18480  }
0xf2: {  	[tilespmem:v1+s6+$0x0] =	vst.idx.add.f32.msk @!p1 $0xffff, v2  }
0xf3: {  	v1 =	vld @!p1 [tilespmem:$0x18110];
	_ =	sdelay $0x7  }
0xf4: {  	[tilespmem:v1+s6+$0x0] =	vst.idx.add.f32.msk @!p1 $0xffff, v2  }
0xf5: {  	v1 =	vld @!p1 [tilespmem:$0x18120];
	_ =	sdelay $0x7  }
0xf6: {  	[tilespmem:v1+s6+$0x0] =	vst.idx.add.f32.msk @!p1 $0xffff, v2  }
0xf7: {  	v1 =	vld @!p1 [tilespmem:$0x18130];
	_ =	sdelay $0x7  }
0xf8: {  	[tilespmem:v1+s6+$0x0] =	vst.idx.add.f32.msk @!p1 $0xffff, v2  }
0xf9: {  	v1 =	vld @!p1 [tilespmem:$0x18140];
	_ =	sdelay $0x7  }
0xfa: {  	[tilespmem:v1+s6+$0x0] =	vst.idx.add.f32.msk @!p1 $0xffff, v2  }
0xfb: {  	v1 =	vld @!p1 [tilespmem:$0x18150];
	_ =	sdelay $0x7  }
0xfc: {  	[tilespmem:v1+s6+$0x0] =	vst.idx.add.f32.msk @!p1 $0xffff, v2  }
0xfd: {  	v1 =	vld @!p1 [tilespmem:$0x18160];
	_ =	sdelay $0x7  }
0xfe: {  	[tilespmem:v1+s6+$0x0] =	vst.idx.add.f32.msk @!p1 $0xffff, v2  }
0xff: {  	v1 =	vld @!p1 [tilespmem:$0x18170];
	_ =	sdelay $0x6  }
0x100: {  	p2 =	sgt.u32 s8, $0x30C  }
0x101: {  	[tilespmem:v1+s6+$0x0] =	vst.idx.add.f32.msk @!p1 $0xffff, v2;
	s6 =	simm.s32 @!p2 $0x5  }
0x102: {  	_ =	swait.ge @!p2 [sflag:s6], $0x4000  }
0x103: {  	[sflag:s6] =	ssyncset.done @!p2 $0x0  }
0x104: {  	[sflag:s6] =	ssyncadd.s32 @!p2 $0xFFFFC000  }
0x105: {  	_ =	swait.ge @!p2 [sflag:s6], $0x80  }
0x106: {  	s8 =	simm.s32 @!p2 $0x18180;
	[sflag:s6] =	ssyncset.done @!p2 $0x0  }
0x107: {  	s9 =	simm.s32 @!p2 $0xC000;
	[sflag:s6] =	ssyncadd.s32 @!p2 $0xFFFFFF80;
	s6 =	simm.s32 @!p2 $0x80  }
0x108: {  	[spmem:s3] =	stream.indirect.scatter.add.f32 @!p2 [tilespmem:s9], [sflag:$0xB], $0x80, s8, s6, $0xb8;
	[tilespmem:$0x1A880] =	vst v63  }
0x109: {  	v1 =	vld @!p2 [tilespmem:$0x18180];
	_ =	sdelay $0x6  }
0x10a: {  	v2 =	vimm.f32 @!p2 $1.000000000e+00;
	s6 =	simm.s32 @!p2 $0x18480  }
0x10b: {  	[tilespmem:v1+s6+$0x0] =	vst.idx.add.f32.msk @!p2 $0xffff, v2  }
0x10c: {  	v1 =	vld @!p2 [tilespmem:$0x18190];
	_ =	sdelay $0x7  }
0x10d: {  	[tilespmem:v1+s6+$0x0] =	vst.idx.add.f32.msk @!p2 $0xffff, v2  }
0x10e: {  	v1 =	vld @!p2 [tilespmem:$0x181A0];
	_ =	sdelay $0x7  }
0x10f: {  	[tilespmem:v1+s6+$0x0] =	vst.idx.add.f32.msk @!p2 $0xffff, v2  }
0x110: {  	v1 =	vld @!p2 [tilespmem:$0x181B0];
	_ =	sdelay $0x7  }
0x111: {  	[tilespmem:v1+s6+$0x0] =	vst.idx.add.f32.msk @!p2 $0xffff, v2  }
0x112: {  	v1 =	vld @!p2 [tilespmem:$0x181C0];
	_ =	sdelay $0x7  }
0x113: {  	[tilespmem:v1+s6+$0x0] =	vst.idx.add.f32.msk @!p2 $0xffff, v2  }
0x114: {  	v1 =	vld @!p2 [tilespmem:$0x181D0];
	_ =	sdelay $0x7  }
0x115: {  	[tilespmem:v1+s6+$0x0] =	vst.idx.add.f32.msk @!p2 $0xffff, v2  }
0x116: {  	v1 =	vld @!p2 [tilespmem:$0x181E0];
	_ =	sdelay $0x7  }
0x117: {  	[tilespmem:v1+s6+$0x0] =	vst.idx.add.f32.msk @!p2 $0xffff, v2  }
0x118: {  	v1 =	vld @!p2 [tilespmem:$0x181F0];
	_ =	sdelay $0x6  }
0x119: {  	p3 =	sgt.u32 s12, $0x30C  }
0x11a: {  	[tilespmem:v1+s6+$0x0] =	vst.idx.add.f32.msk @!p2 $0xffff, v2;
	s6 =	simm.s32 @!p3 $0x6  }
0x11b: {  	_ =	swait.ge @!p3 [sflag:s6], $0x4000  }
0x11c: {  	[sflag:s6] =	ssyncset.done @!p3 $0x0  }
0x11d: {  	[sflag:s6] =	ssyncadd.s32 @!p3 $0xFFFFC000  }
0x11e: {  	_ =	swait.ge @!p3 [sflag:s6], $0x80  }
0x11f: {  	s8 =	simm.s32 @!p3 $0x18200;
	[sflag:s6] =	ssyncset.done @!p3 $0x0  }
0x120: {  	s9 =	simm.s32 @!p3 $0x10000;
	[sflag:s6] =	ssyncadd.s32 @!p3 $0xFFFFFF80;
	s6 =	simm.s32 @!p3 $0x80  }
0x121: {  	[spmem:s3] =	stream.indirect.scatter.add.f32 @!p3 [tilespmem:s9], [sflag:$0xC], $0x80, s8, s6, $0xb8;
	[tilespmem:$0x1A880] =	vst v63  }
0x122: {  	v1 =	vld @!p3 [tilespmem:$0x18200];
	_ =	sdelay $0x6  }
0x123: {  	v2 =	vimm.f32 @!p3 $1.000000000e+00;
	s6 =	simm.s32 @!p3 $0x18480  }
0x124: {  	[tilespmem:v1+s6+$0x0] =	vst.idx.add.f32.msk @!p3 $0xffff, v2  }
0x125: {  	v1 =	vld @!p3 [tilespmem:$0x18210];
	_ =	sdelay $0x7  }
0x126: {  	[tilespmem:v1+s6+$0x0] =	vst.idx.add.f32.msk @!p3 $0xffff, v2  }
0x127: {  	v1 =	vld @!p3 [tilespmem:$0x18220];
	_ =	sdelay $0x7  }
0x128: {  	[tilespmem:v1+s6+$0x0] =	vst.idx.add.f32.msk @!p3 $0xffff, v2  }
0x129: {  	v1 =	vld @!p3 [tilespmem:$0x18230];
	_ =	sdelay $0x7  }
0x12a: {  	[tilespmem:v1+s6+$0x0] =	vst.idx.add.f32.msk @!p3 $0xffff, v2  }
0x12b: {  	v1 =	vld @!p3 [tilespmem:$0x18240];
	_ =	sdelay $0x7  }
0x12c: {  	[tilespmem:v1+s6+$0x0] =	vst.idx.add.f32.msk @!p3 $0xffff, v2  }
0x12d: {  	v1 =	vld @!p3 [tilespmem:$0x18250];
	_ =	sdelay $0x7  }
0x12e: {  	[tilespmem:v1+s6+$0x0] =	vst.idx.add.f32.msk @!p3 $0xffff, v2  }
0x12f: {  	v1 =	vld @!p3 [tilespmem:$0x18260];
	_ =	sdelay $0x7  }
0x130: {  	[tilespmem:v1+s6+$0x0] =	vst.idx.add.f32.msk @!p3 $0xffff, v2  }
0x131: {  	v1 =	vld @!p3 [tilespmem:$0x18270];
	_ =	sdelay $0x6  }
0x132: {  	p1 =	sgt.u32 s16, $0x30C  }
0x133: {  	[tilespmem:v1+s6+$0x0] =	vst.idx.add.f32.msk @!p3 $0xffff, v2;
	s6 =	simm.s32 @!p1 $0x7  }
0x134: {  	_ =	swait.ge @!p1 [sflag:s6], $0x4000  }
0x135: {  	[sflag:s6] =	ssyncset.done @!p1 $0x0  }
0x136: {  	[sflag:s6] =	ssyncadd.s32 @!p1 $0xFFFFC000  }
0x137: {  	_ =	swait.ge @!p1 [sflag:s6], $0x80  }
0x138: {  	s8 =	simm.s32 @!p1 $0x18280;
	[sflag:s6] =	ssyncset.done @!p1 $0x0  }
0x139: {  	s9 =	simm.s32 @!p1 $0x14000;
	[sflag:s6] =	ssyncadd.s32 @!p1 $0xFFFFFF80;
	s6 =	simm.s32 @!p1 $0x80  }
0x13a: {  	[spmem:s3] =	stream.indirect.scatter.add.f32 @!p1 [tilespmem:s9], [sflag:$0xD], $0x80, s8, s6, $0xb8;
	[tilespmem:$0x1A880] =	vst v63  }
0x13b: {  	v1 =	vld @!p1 [tilespmem:$0x18280];
	_ =	sdelay $0x6  }
0x13c: {  	v2 =	vimm.f32 @!p1 $1.000000000e+00;
	s6 =	simm.s32 @!p1 $0x18480  }
0x13d: {  	[tilespmem:v1+s6+$0x0] =	vst.idx.add.f32.msk @!p1 $0xffff, v2  }
0x13e: {  	v1 =	vld @!p1 [tilespmem:$0x18290];
	_ =	sdelay $0x7  }
0x13f: {  	[tilespmem:v1+s6+$0x0] =	vst.idx.add.f32.msk @!p1 $0xffff, v2  }
0x140: {  	v1 =	vld @!p1 [tilespmem:$0x182A0];
	_ =	sdelay $0x7  }
0x141: {  	[tilespmem:v1+s6+$0x0] =	vst.idx.add.f32.msk @!p1 $0xffff, v2  }
0x142: {  	v1 =	vld @!p1 [tilespmem:$0x182B0];
	_ =	sdelay $0x7  }
0x143: {  	[tilespmem:v1+s6+$0x0] =	vst.idx.add.f32.msk @!p1 $0xffff, v2  }
0x144: {  	v1 =	vld @!p1 [tilespmem:$0x182C0];
	_ =	sdelay $0x7  }
0x145: {  	[tilespmem:v1+s6+$0x0] =	vst.idx.add.f32.msk @!p1 $0xffff, v2  }
0x146: {  	v1 =	vld @!p1 [tilespmem:$0x182D0];
	_ =	sdelay $0x7  }
0x147: {  	[tilespmem:v1+s6+$0x0] =	vst.idx.add.f32.msk @!p1 $0xffff, v2  }
0x148: {  	v1 =	vld @!p1 [tilespmem:$0x182E0];
	_ =	sdelay $0x7  }
0x149: {  	[tilespmem:v1+s6+$0x0] =	vst.idx.add.f32.msk @!p1 $0xffff, v2  }
0x14a: {  	v1 =	vld @!p1 [tilespmem:$0x182F0];
	_ =	sdelay $0x1  }
0x14b: {  	s13 =	sadd.s32 $0xC00, s13  }
0x14c: {  	p2 =	sne.s32 s13, $0x3C00  }
.Ltmp3:
0x14d: {  	_ = 	snop;
	(pc) =	sbr.rel @!p2 .LBB2_27-.Ltmp3, $2  }
0x14e: {  	_ =	sdelay $0x2  }
0x14f: {  	s15 =	sadd.s32 $0x60000, s15;
	s16 =	sadd.s32 $0xC0, s16;
	[tilespmem:v1+s6+$0x0] =	vst.idx.add.f32.msk @!p1 $0xffff, v2  }
.LBB2_2:
0x150: {  	s6 =	sadd.s32 $0xFFFFFF60, s16;
	p1 =	seq.s32 s13, $0x0  }
0x151: {  	p2 =	sgt.u32 @!p1 s6, $0x30C  }
0x152: {  	p2 =	por p1, p2  }
.Ltmp4:
0x153: {  	_ = 	snop;
	(pc) =	sbr.rel @p2 .LBB2_4-.Ltmp4, $1  }
0x154: {  	_ =	sdelay $0x3  }
0x155: {  	_ =	swait.ge [sflag:s19], $0x4000  }
0x156: {  	[sflag:s19] =	ssyncset.done $0x0  }
0x157: {  	[sflag:s19] =	ssyncadd.s32 $0xFFFFC000  }
.LBB2_5:
0x158: {  	s8 =	sadd.s32 $0xFFFB0000, s15  }
0x159: {  	[tilespmem:s4], [sflag:$0x2] =	stream.linear.gather [hbm4b:s8+s4], $0x4000, $0x38;
	[tilespmem:$0x1A880] =	vst v63  }
0x15a: {  	s17 =	sadd.s32 s13, s14  }
0x15b: {  	[tilespmem:s20], [sflag:$0x2] =	stream.linear.gather [hbm4b:s17+s4], $0x80, $0x38;
	[tilespmem:$0x1A880] =	vst v63  }
.LBB2_6:
0x15c: {  	s10 =	sadd.s32 $0xFFFFFF80, s16  }
0x15d: {  	p2 =	sgt.u32 @!p1 s10, $0x30C  }
0x15e: {  	p2 =	por p1, p2  }
.Ltmp5:
0x15f: {  	_ = 	snop;
	(pc) =	sbr.rel @p2 .LBB2_8-.Ltmp5, $1  }
0x160: {  	_ =	sdelay $0x3  }
0x161: {  	_ =	swait.ge [sflag:s21], $0x4000  }
0x162: {  	[sflag:s21] =	ssyncset.done $0x0  }
0x163: {  	[sflag:s21] =	ssyncadd.s32 $0xFFFFC000  }
.LBB2_9:
0x164: {  	s8 =	sadd.s32 $0xFFFC0000, s15;
	s17 =	sadd.s32 s13, s14  }
0x165: {  	[tilespmem:s22], [sflag:$0x3] =	stream.linear.gather [hbm4b:s8+s4], $0x4000, $0x38;
	[tilespmem:$0x1A880] =	vst v63  }
0x166: {  	s8 =	sadd.s32 $0x200, s17  }
0x167: {  	[tilespmem:s23], [sflag:$0x3] =	stream.linear.gather [hbm4b:s8+s4], $0x80, $0x38;
	[tilespmem:$0x1A880] =	vst v63  }
.LBB2_10:
0x168: {  	s9 =	sadd.s32 $0xFFFFFFA0, s16  }
0x169: {  	p2 =	sgt.u32 @!p1 s9, $0x30C  }
0x16a: {  	p2 =	por p1, p2  }
.Ltmp6:
0x16b: {  	_ = 	snop;
	(pc) =	sbr.rel @p2 .LBB2_12-.Ltmp6, $1  }
0x16c: {  	_ =	sdelay $0x3  }
0x16d: {  	_ =	swait.ge [sflag:s24], $0x4000  }
0x16e: {  	[sflag:s24] =	ssyncset.done $0x0  }
0x16f: {  	[sflag:s24] =	ssyncadd.s32 $0xFFFFC000  }
.LBB2_13:
0x170: {  	s8 =	sadd.s32 $0xFFFD0000, s15;
	s17 =	sadd.s32 s13, s14  }
0x171: {  	[tilespmem:s25], [sflag:$0x4] =	stream.linear.gather [hbm4b:s8+s4], $0x4000, $0x38;
	[tilespmem:$0x1A880] =	vst v63  }
0x172: {  	s8 =	sadd.s32 $0x400, s17  }
0x173: {  	[tilespmem:s26], [sflag:$0x4] =	stream.linear.gather [hbm4b:s8+s4], $0x80, $0x38;
	[tilespmem:$0x1A880] =	vst v63  }
.LBB2_14:
0x174: {  	s8 =	sadd.s32 $0xFFFFFFC0, s16  }
0x175: {  	p2 =	sgt.u32 @!p1 s8, $0x30C  }
0x176: {  	p2 =	por p1, p2  }
.Ltmp7:
0x177: {  	_ = 	snop;
	(pc) =	sbr.rel @p2 .LBB2_16-.Ltmp7, $1  }
0x178: {  	_ =	sdelay $0x3  }
0x179: {  	_ =	swait.ge [sflag:s28], $0x4000  }
0x17a: {  	[sflag:s28] =	ssyncset.done $0x0  }
0x17b: {  	[sflag:s28] =	ssyncadd.s32 $0xFFFFC000  }
.LBB2_17:
0x17c: {  	s12 =	sadd.s32 $0xFFFE0000, s15;
	s17 =	sadd.s32 s13, s14  }
0x17d: {  	[tilespmem:s29], [sflag:$0x5] =	stream.linear.gather [hbm4b:s12+s4], $0x4000, $0x38;
	[tilespmem:$0x1A880] =	vst v63  }
0x17e: {  	s12 =	sadd.s32 $0x600, s17  }
0x17f: {  	[tilespmem:s30], [sflag:$0x5] =	stream.linear.gather [hbm4b:s12+s4], $0x80, $0x38;
	[tilespmem:$0x1A880] =	vst v63  }
.LBB2_18:
0x180: {  	s12 =	sadd.s32 $0xFFFFFFE0, s16  }
0x181: {  	p2 =	sgt.u32 @!p1 s12, $0x30C  }
0x182: {  	p2 =	por p1, p2  }
.Ltmp8:
0x183: {  	_ = 	snop;
	(pc) =	sbr.rel @p2 .LBB2_20-.Ltmp8, $1  }
0x184: {  	_ =	sdelay $0x3  }
0x185: {  	_ =	swait.ge [sflag:s31], $0x4000  }
0x186: {  	[sflag:s31] =	ssyncset.done $0x0  }
0x187: {  	[sflag:s31] =	ssyncadd.s32 $0xFFFFC000  }
.LBB2_21:
0x188: {  	s17 =	sadd.s32 $0xFFFF0000, s15;
	s11 =	sadd.s32 s13, s14  }
0x189: {  	[tilespmem:s1], [sflag:$0x6] =	stream.linear.gather [hbm4b:s17+s4], $0x4000, $0x38;
	[tilespmem:$0x1A880] =	vst v63  }
0x18a: {  	s17 =	sadd.s32 $0x800, s11  }
0x18b: {  	[tilespmem:s2], [sflag:$0x6] =	stream.linear.gather [hbm4b:s17+s4], $0x80, $0x38;
	[tilespmem:$0x1A880] =	vst v63  }
.LBB2_22:
0x18c: {  	p2 =	sgt.u32 @!p1 s16, $0x30C  }
0x18d: {  	p1 =	por p1, p2  }
.Ltmp9:
0x18e: {  	_ = 	snop;
	(pc) =	sbr.rel @!p1 .LBB2_23-.Ltmp9, $1  }
0x18f: {  	_ =	sdelay $0x3  }
0x190: {  	p1 =	sgt.u32 s16, $0x30C  }
.Ltmp10:
0x191: {  	_ = 	snop;
	(pc) =	sbr.rel @p1 .LBB2_26-.Ltmp10, $4  }
.Ltmp11:
0x192: {  	_ = 	snop;
	(pc) =	sbr.rel @!p1 .LBB2_25-.Ltmp11, $4  }
0x193: {  	_ = 	snop  }
0x194: {  	_ = 	snop  }
0x195: {  	_ = 	snop  }
0x196: {  	_ = 	snop  }
.LBB2_4:
0x197: {  	p2 =	sgt.u32 s6, $0x30C  }
.Ltmp12:
0x198: {  	_ = 	snop;
	(pc) =	sbr.rel @p2 .LBB2_6-.Ltmp12, $4  }
.Ltmp13:
0x199: {  	_ = 	snop;
	(pc) =	sbr.rel @!p2 .LBB2_5-.Ltmp13, $4  }
0x19a: {  	_ = 	snop  }
0x19b: {  	_ = 	snop  }
0x19c: {  	_ = 	snop  }
0x19d: {  	_ = 	snop  }
.LBB2_8:
0x19e: {  	p2 =	sgt.u32 s10, $0x30C  }
.Ltmp14:
0x19f: {  	_ = 	snop;
	(pc) =	sbr.rel @p2 .LBB2_10-.Ltmp14, $4  }
.Ltmp15:
0x1a0: {  	_ = 	snop;
	(pc) =	sbr.rel @!p2 .LBB2_9-.Ltmp15, $4  }
0x1a1: {  	_ = 	snop  }
0x1a2: {  	_ = 	snop  }
0x1a3: {  	_ = 	snop  }
0x1a4: {  	_ = 	snop  }
.LBB2_12:
0x1a5: {  	p2 =	sgt.u32 s9, $0x30C  }
.Ltmp16:
0x1a6: {  	_ = 	snop;
	(pc) =	sbr.rel @p2 .LBB2_14-.Ltmp16, $4  }
.Ltmp17:
0x1a7: {  	_ = 	snop;
	(pc) =	sbr.rel @!p2 .LBB2_13-.Ltmp17, $4  }
0x1a8: {  	_ = 	snop  }
0x1a9: {  	_ = 	snop  }
0x1aa: {  	_ = 	snop  }
0x1ab: {  	_ = 	snop  }
.LBB2_16:
0x1ac: {  	p2 =	sgt.u32 s8, $0x30C  }
.Ltmp18:
0x1ad: {  	_ = 	snop;
	(pc) =	sbr.rel @p2 .LBB2_18-.Ltmp18, $4  }
.Ltmp19:
0x1ae: {  	_ = 	snop;
	(pc) =	sbr.rel @!p2 .LBB2_17-.Ltmp19, $4  }
0x1af: {  	_ = 	snop  }
0x1b0: {  	_ = 	snop  }
0x1b1: {  	_ = 	snop  }
0x1b2: {  	_ = 	snop  }
.LBB2_20:
0x1b3: {  	p2 =	sgt.u32 s12, $0x30C  }
.Ltmp20:
0x1b4: {  	_ = 	snop;
	(pc) =	sbr.rel @p2 .LBB2_22-.Ltmp20, $4  }
.Ltmp21:
0x1b5: {  	_ = 	snop;
	(pc) =	sbr.rel @!p2 .LBB2_21-.Ltmp21, $4  }
0x1b6: {  	_ = 	snop  }
0x1b7: {  	_ = 	snop  }
0x1b8: {  	_ = 	snop  }
0x1b9: {  	_ = 	snop  }
.LBB2_28:
0x1ba: {  	_ =	sfence.sel $0x180000  }
0x1bb: {  	[bflag:$0x0] =	sbarrier.arrive $0xFFFF  }
0x1bc: {  	_ =	strace $0x90000047  }
0x1bd: {  	s0 =	stileid.u32;
	[bflag:$0x2] =	sbarrier.arrive $0xFFFF  }
0x1be: {  	p0 =	sne.s32 s0, $0x0;
	s0 =	rddreg [dreg:$0x5]  }
0x1bf: {  	s0 =	sadd.s32 @!p0 $0x100000, s0  }
0x1c0: {  	[sflag:s0] =	ssyncadd.tile.s32 @!p0 $0x1;
	_ =	shalt  }
.Lfunc_end2:
_tile_overlayer_lowered:
.L_overlay_start_2:
0x1c1: {  	(tag) =	ssettag $0x2  }
0x1c2: {  	s0 =	rddreg [dreg:$0x0];
	s2 =	stileid.u32  }
0x1c3: {  	s1 =	rddreg [dreg:$0x1];
	p0 =	sne.s32 s2, $0x0  }
0x1c4: {  	s3 =	rddreg [dreg:$0x2];
	[bflag:$0x3] =	sbarrier.arrive $0xFFFF;
	s2 =	simm.s32 @!p0 $0x1C0E  }
0x1c5: {  	[timem:s3], [sflag:s2] =	dma.local @!p0 [hbm:s0], s1  }
0x1c6: {  	s0 =	simm.s32 @!p0 $0xE  }
0x1c7: {  	_ =	swait.ge @!p0 [sflag:s0], s1  }
0x1c8: {  	s1 =	ssub.s32 @!p0 $0x0, s1;
	[sflag:s0] =	ssyncset.done @!p0 $0x0  }
0x1c9: {  	[sflag:s0] =	ssyncadd.s32 @!p0 s1  }
0x1ca: {  	[bflag:$0x3] =	sbarrier.arrive $0xFFFF  }
0x1cb: {  	_ =	shalt  }

</sc_bundles>
